<compile_context>
chip_gen: v7x
topology: tpu7x:2x2x1
jax: 0.10.2.dev20260603
libtpu: 0.0.44.dev20260713+nightly
codegen_flags: <defaults>
</compile_context>

<pallas_src>
import functools

import jax
import jax.numpy as jnp
from jax import lax
from jax.experimental import pallas as pl
from jax.experimental.pallas import tpu as pltpu
from jax.experimental.pallas import tpu_sc as plsc

_K1 = [21, 15, 9, 5]
_P1 = [10, 7, 4, 2]
_K2 = [9, 7, 5, 3]
_P2 = [4, 3, 2, 1]
_GROUPS = 4

_V = 8192
_D = 200
_DP = 256
_DA = 256
_M = 8192
_TM = 256
_NT = _M // _TM



def _conv1d(x, w, b, pad):
    y = lax.conv_general_dilated(
        x, w, window_strides=(1, 1), padding=((0, 0), (pad, pad)),
        dimension_numbers=('NCHW', 'OIHW', 'NCHW'))
    return y + b[None, :, None, None]


def _groupnorm(x, g, b, groups=_GROUPS, eps=1e-5):
    B, C, H, W = x.shape
    xg = x.reshape(B, groups, C // groups, H, W)
    mu = xg.mean(axis=(2, 3, 4), keepdims=True)
    var = xg.var(axis=(2, 3, 4), keepdims=True)
    xg = (xg - mu) / jnp.sqrt(var + eps)
    xn = xg.reshape(B, C, H, W)
    return xn * g[None, :, None, None] + b[None, :, None, None]


def _pool(x, k):
    B, C, H, W = x.shape
    return x.reshape(B, C, H, W // k, k).mean(axis=-1)


def _branch(x, i, p):
    h = _pool(jax.nn.gelu(_groupnorm(
        _conv1d(x, p['c1w'][i], p['c1b'][i], _P1[i]),
        p['g1w'][i], p['g1b'][i]), approximate=False), 2)
    h = _pool(jax.nn.gelu(_groupnorm(
        _conv1d(h, p['c2w'][i], p['c2b'][i], _P2[i]),
        p['g2w'][i], p['g2b'][i]), approximate=False), 4)
    B, C, NA, T = h.shape
    return jnp.transpose(h, (0, 2, 3, 1)).reshape(B, NA, T * C)



_KMAX1, _PMAX1 = 21, 10
_KMAX2, _PMAX2 = 9, 4


def _padw(w, kmax, pad, pmax):
    wz = jnp.zeros(w.shape[:-1] + (kmax,), w.dtype)
    return lax.dynamic_update_slice(wz, w, (0, 0, 0, pmax - pad))


def _gn16(xx, g, b, eps=1e-5):
    B, C, H, W = xx.shape
    xg = xx.reshape(B, 16, 2, H, W)
    mu = xg.mean(axis=(2, 3, 4), keepdims=True)
    var = xg.var(axis=(2, 3, 4), keepdims=True)
    xg = (xg - mu) / jnp.sqrt(var + eps)
    return (xg.reshape(B, C, H, W) * g[None, :, None, None]
            + b[None, :, None, None])


def _front_end(h, p):
    B = h.shape[0]
    NA = h.shape[2]
    w1 = jnp.concatenate([_padw(p['c1w'][i], _KMAX1, _P1[i], _PMAX1)
                          for i in range(4)], axis=0)
    b1 = jnp.concatenate([p['c1b'][i] for i in range(4)])
    w2 = jnp.concatenate([_padw(p['c2w'][i], _KMAX2, _P2[i], _PMAX2)
                          for i in range(4)], axis=0)
    b2 = jnp.concatenate([p['c2b'][i] for i in range(4)])
    g1 = jnp.concatenate([p['g1w'][i] for i in range(4)])
    gb1 = jnp.concatenate([p['g1b'][i] for i in range(4)])
    g2 = jnp.concatenate([p['g2w'][i] for i in range(4)])
    gb2 = jnp.concatenate([p['g2b'][i] for i in range(4)])

    hrep = jnp.broadcast_to(h, (B, 4) + h.shape[2:])
    y = lax.conv_general_dilated(hrep, w1, window_strides=(1, 1),
                                 padding=((0, 0), (_PMAX1, _PMAX1)),
                                 dimension_numbers=('NCHW', 'OIHW', 'NCHW'),
                                 feature_group_count=4)
    y = y + b1[None, :, None, None]
    y = _pool(jax.nn.gelu(_gn16(y, g1, gb1), approximate=False), 2)
    y = lax.conv_general_dilated(y, w2, window_strides=(1, 1),
                                 padding=((0, 0), (_PMAX2, _PMAX2)),
                                 dimension_numbers=('NCHW', 'OIHW', 'NCHW'),
                                 feature_group_count=4)
    y = y + b2[None, :, None, None]
    y = _pool(jax.nn.gelu(_gn16(y, g2, gb2), approximate=False), 4)
    return jnp.concatenate(
        [jnp.transpose(y[:, 8 * i:8 * (i + 1)], (0, 2, 3, 1)).reshape(-1, _D)
         for i in range(4)], axis=0)



_W1 = 220
_C1 = 1600
_W2 = 864
_C2 = 800
_RH = 1024


def _pack_weights(p):
    w1c = jnp.stack([_padw(p['c1w'][i], _KMAX1, _P1[i], _PMAX1)[:, 0, 0, :]
                     for i in range(4)])
    w1t = jnp.transpose(w1c, (0, 2, 1))
    w2c = jnp.stack([_padw(p['c2w'][i], _KMAX2, _P2[i], _PMAX2)[:, :, 0, :]
                     for i in range(4)])
    w2k = jnp.transpose(w2c, (0, 3, 2, 1))

    def rows(i, reps, names):
        v = [jnp.repeat(p[n][i], reps) for n in names]
        v += [jnp.zeros_like(v[0])] * (8 - len(v))
        return jnp.stack(v)

    cw1 = jnp.stack([rows(i, 200, ['c1b', 'g1w', 'g1b']) for i in range(4)])
    cw2 = jnp.stack([rows(i, 100, ['c2b', 'g2w', 'g2b']) for i in range(4)])
    return w1t, w2k, cw1, cw2


def _bands_body(w1t_ref, w2k_ref, b1_ref, b2_ref, p2_ref):
    w1t = w1t_ref[0]
    e1 = lax.broadcasted_iota(jnp.int32, (8, _C1), 0)
    e1 = jnp.where(e1 == lax.broadcasted_iota(jnp.int32, (8, _C1), 1) // 200,
                   1.0, 0.0)
    t1 = lax.broadcasted_iota(jnp.int32, (_W1, _C1), 0)
    l1 = lax.broadcasted_iota(jnp.int32, (_W1, _C1), 1)
    km = t1 - (l1 - (l1 // 200) * 200)
    acc1 = jnp.zeros((_W1, _C1), jnp.float32)
    for k in range(_KMAX1):
        row = _dot(w1t[k:k + 1, :], e1)
        acc1 = jnp.where(km == k, row, acc1)
    b1_ref[...] = acc1.reshape(1, _W1, _C1)

    u0 = lax.broadcasted_iota(jnp.int32, (_W2, 8), 0)
    u1 = lax.broadcasted_iota(jnp.int32, (_W2, 8), 1)
    u2 = jnp.where(u0 // 108 == u1, 1.0, 0.0)
    f0 = lax.broadcasted_iota(jnp.int32, (8, _C2), 0)
    f1 = lax.broadcasted_iota(jnp.int32, (8, _C2), 1)
    e2 = jnp.where(f0 == f1 // 100, 1.0, 0.0)
    r2 = lax.broadcasted_iota(jnp.int32, (_W2, _C2), 0)
    l2 = lax.broadcasted_iota(jnp.int32, (_W2, _C2), 1)
    k2m = r2 - (r2 // 108) * 108 - (l2 - (l2 // 100) * 100)
    acc2 = jnp.zeros((_W2, _C2), jnp.float32)
    for k in range(_KMAX2):
        yk = _dot(_dot(u2, w2k_ref[0, k]), e2)
        acc2 = jnp.where(k2m == k, yk, acc2)
    b2_ref[...] = acc2.reshape(1, _W2, _C2)

    p0 = lax.broadcasted_iota(jnp.int32, (_C1, _W2), 0)
    p1 = lax.broadcasted_iota(jnp.int32, (_C1, _W2), 1)
    s1 = p1 - (p1 // 108) * 108
    p2_ref[...] = jnp.where((p0 // 200 == p1 // 108)
                            & (s1 - _PMAX2 == (p0 - (p0 // 200) * 200) // 2)
                            & (s1 >= _PMAX2) & (s1 < 108 - _PMAX2),
                            jnp.float32(0.5), 0.0)


def _bands(w1t, w2k):
    return pl.pallas_call(
        _bands_body,
        grid=(4,),
        in_specs=[pl.BlockSpec((1, _KMAX1, 8), lambda i: (i, 0, 0)),
                  pl.BlockSpec((1, _KMAX2, 8, 8), lambda i: (i, 0, 0, 0))],
        out_specs=[pl.BlockSpec((1, _W1, _C1), lambda i: (i, 0, 0)),
                   pl.BlockSpec((1, _W2, _C2), lambda i: (i, 0, 0)),
                   pl.BlockSpec((_C1, _W2), lambda i: (0, 0))],
        out_shape=[jax.ShapeDtypeStruct((4, _W1, _C1), jnp.float32),
                   jax.ShapeDtypeStruct((4, _W2, _C2), jnp.float32),
                   jax.ShapeDtypeStruct((_C1, _W2), jnp.float32)],
    )(w1t, w2k)


def _dot(a, b):
    return lax.dot_general(a, b, (((1,), (0,)), ((), ())),
                           preferred_element_type=jnp.float32,
                           precision=lax.Precision.HIGHEST)


def _dotd(a, b):
    return lax.dot_general(a, b, (((1,), (0,)), ((), ())),
                           preferred_element_type=jnp.float32)


def _gn_mm(y, lanes_per_group, gamma_row, beta_row, eps=1e-5):
    rows, ncols = y.shape
    nb = rows // 256
    ng = ncols // lanes_per_group
    i0 = lax.broadcasted_iota(jnp.int32, (nb, rows), 0)
    i1 = lax.broadcasted_iota(jnp.int32, (nb, rows), 1)
    rowsel_t = jnp.where(i0 == i1 // 256, 1.0, 0.0)
    j0 = lax.broadcasted_iota(jnp.int32, (rows, nb), 0)
    j1 = lax.broadcasted_iota(jnp.int32, (rows, nb), 1)
    rowsel = jnp.where(j0 // 256 == j1, 1.0, 0.0)
    c0 = lax.broadcasted_iota(jnp.int32, (ncols, ng), 0)
    c1 = lax.broadcasted_iota(jnp.int32, (ncols, ng), 1)
    colsel = jnp.where(c0 // lanes_per_group == c1, 1.0, 0.0)
    d0 = lax.broadcasted_iota(jnp.int32, (ng, ncols), 0)
    d1 = lax.broadcasted_iota(jnp.int32, (ng, ncols), 1)
    colsel_t = jnp.where(d0 == d1 // lanes_per_group, 1.0, 0.0)

    cnt = jnp.float32(256 * lanes_per_group)
    s = _dot(_dot(rowsel_t, y), colsel)
    sq = _dot(_dot(rowsel_t, y * y), colsel)
    mu = s / cnt
    var = sq / cnt - mu * mu
    inv = 1.0 / jnp.sqrt(var + eps)
    mu_full = _dot(_dot(rowsel, mu), colsel_t)
    inv_full = _dot(_dot(rowsel, inv), colsel_t)
    return (y - mu_full) * inv_full * gamma_row + beta_row


def _gelu(y):
    return 0.5 * y * (1.0 + lax.erf(y * jnp.float32(0.7071067811865476)))


def _front_body(x_ref, b1_ref, b2_ref, p2_ref, c1_ref, c2_ref, out_ref):
    x = x_ref[...]
    xp = jnp.pad(x, ((0, 0), (_PMAX1, _PMAX1)))
    y = _dotd(xp, b1_ref[0]) + c1_ref[0, 0:1, :]
    y = _gn_mm(y, 400, c1_ref[0, 1:2, :], c1_ref[0, 2:3, :])
    y = _gelu(y)
    pooled = _dot(y, p2_ref[...])
    y2 = _dotd(pooled, b2_ref[0]) + c2_ref[0, 0:1, :]
    y2 = _gn_mm(y2, 200, c2_ref[0, 1:2, :], c2_ref[0, 2:3, :])
    y2 = _gelu(y2)
    r0 = lax.broadcasted_iota(jnp.int32, (_C2, _D), 0)
    l0 = lax.broadcasted_iota(jnp.int32, (_C2, _D), 1)
    p4 = jnp.where((r0 // 100 == l0 - (l0 // 8) * 8)
                   & ((r0 - (r0 // 100) * 100) // 4 == l0 // 8),
                   jnp.float32(0.25), 0.0)
    out_ref[...] = _dotd(y2, p4).reshape(1, 1, _RH, _D)


def _front(x2d, b1m, b2m, p2m, cw1, cw2):
    return pl.pallas_call(
        _front_body,
        grid=(4, 2),
        in_specs=[pl.BlockSpec((_RH, _D), lambda i, h: (h, 0)),
                  pl.BlockSpec((1, _W1, _C1), lambda i, h: (i, 0, 0)),
                  pl.BlockSpec((1, _W2, _C2), lambda i, h: (i, 0, 0)),
                  pl.BlockSpec((_C1, _W2), lambda i, h: (0, 0)),
                  pl.BlockSpec((1, 8, _C1), lambda i, h: (i, 0, 0)),
                  pl.BlockSpec((1, 8, _C2), lambda i, h: (i, 0, 0))],
        out_specs=pl.BlockSpec((1, 1, _RH, _D), lambda i, h: (i, h, 0, 0)),
        out_shape=jax.ShapeDtypeStruct((4, 2, _RH, _D), jnp.float32),
    )(x2d, b1m, b2m, p2m, cw1, cw2)



_PTK = 2048


def _pad_body(cb_ref, out_ref):
    out_ref[...] = jnp.pad(cb_ref[...], ((0, 0), (0, 0), (0, _DP - _D)))


def _pad_cb(cb):
    return pl.pallas_call(
        _pad_body,
        grid=(2, _V // _PTK),
        in_specs=[pl.BlockSpec((1, _PTK, _D), lambda l, j: (l, j, 0))],
        out_specs=pl.BlockSpec((1, _PTK, _DP), lambda l, j: (l, j, 0)),
        out_shape=jax.ShapeDtypeStruct((2, _V, _DP), jnp.float32),
    )(cb)



def _dist_body(r_ref, rn_ref, cb_ref, cn_ref, idx_ref):
    dot = lax.dot_general(r_ref[...], cb_ref[...], (((1,), (1,)), ((), ())),
                          preferred_element_type=jnp.float32)
    d = (rn_ref[...] - 2.0 * dot) + cn_ref[...]
    m = jnp.min(d, axis=1, keepdims=True)
    ii = lax.broadcasted_iota(jnp.int32, d.shape, 1)
    idx = jnp.min(jnp.where(d == m, ii, jnp.int32(_V)), axis=1)
    idx_ref[...] = idx.reshape(1, 1, _TM)


_TOK_SPEC = pl.BlockSpec((_TM, _D), lambda i: (i, 0))
_RN_SPEC = pl.BlockSpec((_TM, 1), lambda i: (i, 0))
_CB_SPEC = pl.BlockSpec((_V, _D), lambda i: (0, 0))
_CN_SPEC = pl.BlockSpec((1, _V), lambda i: (0, 0))
_IDX_SPEC = pl.BlockSpec((1, 1, _TM), lambda i: (i, 0, 0))
_IDX_SHAPE = jax.ShapeDtypeStruct((_NT, 1, _TM), jnp.int32)


def _nearest(r_pad, rnorm, cb_l, cnorm_l):
    return pl.pallas_call(
        _dist_body,
        grid=(_NT,),
        in_specs=[_TOK_SPEC, _RN_SPEC, _CB_SPEC, _CN_SPEC],
        out_specs=_IDX_SPEC,
        out_shape=_IDX_SHAPE,
    )(r_pad, rnorm, cb_l, cnorm_l).reshape(_M)



def _gather_rows(table, idx):
    info = plsc.get_sparse_core_info()
    nw = info.num_cores * info.num_subcores
    bpw = _M // nw
    mesh = plsc.VectorSubcoreMesh(core_axis_name="c", subcore_axis_name="s")

    @functools.partial(
        pl.kernel, mesh=mesh,
        out_type=jax.ShapeDtypeStruct((_M, _DP), jnp.float32),
        scratch_types=[
            pltpu.VMEM((bpw,), jnp.int32),
            pltpu.VMEM((bpw, _DP), jnp.float32),
            pltpu.SemaphoreType.DMA,
        ],
    )
    def k(table_hbm, idx_hbm, out_hbm, idx_v, rows_v, sem):
        wid = lax.axis_index("s") * info.num_cores + lax.axis_index("c")
        base = wid * bpw
        pltpu.sync_copy(idx_hbm.at[pl.ds(base, bpw)], idx_v)
        pltpu.async_copy(table_hbm.at[idx_v], rows_v, sem).wait()
        pltpu.sync_copy(rows_v, out_hbm.at[pl.ds(base, bpw)])

    return k(table, idx)



def kernel(x, params):
    p = params
    B, N, A, T = x.shape
    h = x.reshape(B, N * A, T)[:, None, :, :]
    zs = [_branch(h, i, p) for i in range(4)]
    zf = jnp.concatenate([z.reshape(-1, _D) for z in zs], axis=0)

    cb = p['codebooks']
    cb_pad = _pad_cb(cb)
    cnorm = (cb ** 2).sum(-1)[:, None, :]

    rn0 = (zf ** 2).sum(-1, keepdims=True)
    idx0 = _nearest(zf, rn0, cb[0], cnorm[0])
    q0 = _gather_rows(cb_pad[0], idx0)[:, :_D]

    r1 = zf - q0
    rn1 = (r1 ** 2).sum(-1, keepdims=True)
    idx1 = _nearest(r1, rn1, cb[1], cnorm[1])
    q1 = _gather_rows(cb_pad[1], idx1)[:, :_D]

    total = q0 + q1
    out = zf + (total - zf)
    return out.reshape(4, B, N * A, _D)

# --- scband reference (transcript-rebuilt; emitter-appended) ---
"""Pipeline reference for scband-neuro-rvqtokenizer-4982162063517 (READ-ONLY COPY).

The authoritative reference and input builder live on the scoring server;
editing this copy changes nothing except your own understanding.
"""

import jax, jax.numpy as jnp
import numpy as np

K1 = [21, 15, 9, 5]
P1 = [10, 7, 4, 2]
K2 = [9, 7, 5, 3]
P2 = [4, 3, 2, 1]
OUT_CHANS = 8
GROUPS = 4
N_Q = 2
VOCAB = 8192


def _conv(x, w, b, pad):
    y = jax.lax.conv_general_dilated(x, w, window_strides=(1, 1), padding=((0, 0), (pad, pad)), dimension_numbers=('NCHW', 'OIHW', 'NCHW'))
    return y + b[None, :, None, None]


def _gn(x, g, b, groups=GROUPS, eps=1e-5):
    B, C, H, W = x.shape
    xg = x.reshape(B, groups, C // groups, H, W)
    mu = xg.mean(axis=(2, 3, 4), keepdims=True)
    var = xg.var(axis=(2, 3, 4), keepdims=True)
    xg = (xg - mu) / jnp.sqrt(var + eps)
    xn = xg.reshape(B, C, H, W)
    return xn * g[None, :, None, None] + b[None, :, None, None]


def _pool(x, k):
    B, C, H, W = x.shape
    return x.reshape(B, C, H, W // k, k).mean(axis=-1)


def _branch(x, i, p):
    h = _pool(jax.nn.gelu(_gn(_conv(x, p['c1w'][i], p['c1b'][i], P1[i]), p['g1w'][i], p['g1b'][i]), approximate=False), 2)
    h = _pool(jax.nn.gelu(_gn(_conv(h, p['c2w'][i], p['c2b'][i], P2[i]), p['g2w'][i], p['g2b'][i]), approximate=False), 4)
    B, C, NA, T = h.shape
    # rearrange 'B C NA T -> B NA (T C)'
    return jnp.transpose(h, (0, 2, 3, 1)).reshape(B, NA, T * C)


def _rvq(zf, cbs):
    # zf: [M, D]; cbs: [L, K, D] residual vector quantization
    residual = zf
    total = jnp.zeros_like(zf)
    for l in range(cbs.shape[0]):
        cb = cbs[l]
        d = (residual ** 2).sum(-1, keepdims=True) - 2.0 * (residual @ cb.T) + (cb ** 2).sum(-1)[None, :]
        idx = jnp.argmin(d, axis=-1)
        q = jnp.take(cb, idx, axis=0)
        total = total + q
        residual = residual - q
    return total


def _forward(x, params):
    B, N, A, T = x.shape
    h = x.reshape(B, N * A, T)[:, None, :, :]  # B, 1, NA, T
    outs = []
    for i in range(4):
        z = _branch(h, i, params)  # B, NA, D
        zf = z.reshape(-1, z.shape[-1])
        q = _rvq(zf, params['codebooks'])
        q_st = zf + jax.lax.stop_gradient(q - zf)  # straight-through
        outs.append(q_st.reshape(z.shape))
    return jnp.stack(outs, axis=0)  # [4, B, NA, D]


def setup_inputs(seed: int = 0):
    key = jax.random.key(seed)
    ks = jax.random.split(key, 32)
    x = jax.random.normal(ks[0], (8, 64, 4, 200), dtype=jnp.float32)
    c1w = [jax.random.normal(ks[1 + i], (OUT_CHANS, 1, 1, K1[i]), dtype=jnp.float32) * 0.05 for i in range(4)]
    c1b = [jnp.zeros((OUT_CHANS,), dtype=jnp.float32) for _ in range(4)]
    c2w = [jax.random.normal(ks[5 + i], (OUT_CHANS, OUT_CHANS, 1, K2[i]), dtype=jnp.float32) * 0.05 for i in range(4)]
    c2b = [jnp.zeros((OUT_CHANS,), dtype=jnp.float32) for _ in range(4)]
    g1w = [jnp.ones((OUT_CHANS,), dtype=jnp.float32) for _ in range(4)]
    g1b = [jnp.zeros((OUT_CHANS,), dtype=jnp.float32) for _ in range(4)]
    g2w = [jnp.ones((OUT_CHANS,), dtype=jnp.float32) for _ in range(4)]
    g2b = [jnp.zeros((OUT_CHANS,), dtype=jnp.float32) for _ in range(4)]
    codebooks = jax.random.normal(ks[20], (N_Q, VOCAB, 200), dtype=jnp.float32) * 0.5
    params = {'c1w': c1w, 'c1b': c1b, 'c2w': c2w, 'c2b': c2b, 'g1w': g1w, 'g1b': g1b, 'g2w': g2w, 'g2b': g2b, 'codebooks': codebooks}
    return {'x': x, 'params': params}


def reference(x, params):
    return _forward(x, params)

if __name__ == "__main__":
    import jax
    _d = setup_inputs()
    print(jax.jit(kernel)(*tuple(_d.values())))

</pallas_src>

<mosaic_0001>
#map = affine_map<(d0, d1) -> (0, 0)>
#map1 = affine_map<(d0, d1) -> (0)>
module attributes {stable_mosaic.version = 14 : i64} {
  func.func @k(%arg0: i32, %arg1: i32, %arg2: memref<8192x256xf32, #tpu.memory_space<hbm>>, %arg3: memref<8192xi32, #tpu.memory_space<hbm>>, %arg4: memref<8192x256xf32, #tpu.memory_space<hbm>>, %arg5: memref<256xi32, #tpu.memory_space<vmem>>, %arg6: memref<256x256xf32, #tpu.memory_space<vmem>>, %arg7: memref<!tpu.dma_semaphore, #tpu.memory_space<semaphore_mem>>) attributes {dimension_semantics = [#tpu.dimension_semantics<core_parallel>, #tpu.dimension_semantics<subcore_parallel>], iteration_bounds = array<i64: 2, 16>, scalar_prefetch = 0 : i64, scratch_operands = 3 : i64, tpu.core_type = #tpu.core_type<sc_vector_subcore>, window_params = [{transform_indices = #map}, {transform_indices = #map1}, {transform_indices = #map}]} {
    %mul3A = arith.constant 2 : i32
    %mul3A_0 = arith.muli %arg1, %mul3A : i32
    %add3A = arith.addi %mul3A_0, %arg0 : i32
    %mul3A_1 = arith.constant 256 : i32
    %mul3A_2 = arith.muli %add3A, %mul3A_1 : i32
    "tpu.region"() ({
      %run_scoped3A = tpu.sem_alloc : memref<!tpu.dma_semaphore, #tpu.memory_space<semaphore_mem>>
      %dma_start3A_7 = tpu.memref_slice %arg3[%mul3A_2] : memref<8192xi32, #tpu.memory_space<hbm>> -> memref<256xi32, #tpu.memory_space<hbm>>
      %dma_start3A_8 = tpu.memref_slice %arg3[%mul3A_2] : memref<8192xi32, #tpu.memory_space<hbm>> -> memref<256xi32, #tpu.memory_space<hbm>>
      tpu.enqueue_dma source(%dma_start3A_8 : memref<256xi32, #tpu.memory_space<hbm>>) target(%arg5 : memref<256xi32, #tpu.memory_space<vmem>>) target_semaphore(%run_scoped3A : memref<!tpu.dma_semaphore, #tpu.memory_space<semaphore_mem>>)
      %dma_wait3A_9 = tpu.memref_slice %arg3[%mul3A_2] : memref<8192xi32, #tpu.memory_space<hbm>> -> memref<256xi32, #tpu.memory_space<hbm>>
      %dma_wait3A_10 = tpu.memref_slice %arg3[%mul3A_2] : memref<8192xi32, #tpu.memory_space<hbm>> -> memref<256xi32, #tpu.memory_space<hbm>>
      tpu.wait_dma2 semaphore(%run_scoped3A : memref<!tpu.dma_semaphore, #tpu.memory_space<semaphore_mem>>) src(%dma_wait3A_10 : memref<256xi32, #tpu.memory_space<hbm>>) dst(%arg5 : memref<256xi32, #tpu.memory_space<vmem>>)
      tpu.yield
    }) : () -> ()
    %dma_start3A = arith.constant 0 : i32
    %dma_start3A_3 = arith.constant 0 : i32
    %dma_start3A_4 = tpu.memref_slice %arg2[%dma_start3A, %dma_start3A_3] : memref<8192x256xf32, #tpu.memory_space<hbm>> -> memref<8192x256xf32, #tpu.memory_space<hbm>>
    tpu.enqueue_indirect_dma source(%dma_start3A_4 : memref<8192x256xf32, #tpu.memory_space<hbm>>) target(%arg6 : memref<256x256xf32, #tpu.memory_space<vmem>>) offsets(%arg5 : memref<256xi32, #tpu.memory_space<vmem>>) semaphore(%arg7 : memref<!tpu.dma_semaphore, #tpu.memory_space<semaphore_mem>>)
    %dma_wait3A = arith.constant 0 : i32
    %dma_wait3A_5 = arith.constant 0 : i32
    %dma_wait3A_6 = tpu.memref_slice %arg2[%dma_wait3A, %dma_wait3A_5] : memref<8192x256xf32, #tpu.memory_space<hbm>> -> memref<8192x256xf32, #tpu.memory_space<hbm>>
    tpu.wait_indirect_dma semaphore(%arg7 : memref<!tpu.dma_semaphore, #tpu.memory_space<semaphore_mem>>) src(%dma_wait3A_6 : memref<8192x256xf32, #tpu.memory_space<hbm>>) dst(%arg6 : memref<256x256xf32, #tpu.memory_space<vmem>>)
    "tpu.region"() ({
      %run_scoped3A = tpu.sem_alloc : memref<!tpu.dma_semaphore, #tpu.memory_space<semaphore_mem>>
      %dma_start3A_7 = arith.constant 0 : i32
      %dma_start3A_8 = tpu.memref_slice %arg4[%mul3A_2, %dma_start3A_7] : memref<8192x256xf32, #tpu.memory_space<hbm>> -> memref<256x256xf32, #tpu.memory_space<hbm>>
      %dma_start3A_9 = arith.constant 0 : i32
      %dma_start3A_10 = tpu.memref_slice %arg4[%mul3A_2, %dma_start3A_9] : memref<8192x256xf32, #tpu.memory_space<hbm>> -> memref<256x256xf32, #tpu.memory_space<hbm>>
      tpu.enqueue_dma source(%arg6 : memref<256x256xf32, #tpu.memory_space<vmem>>) target(%dma_start3A_10 : memref<256x256xf32, #tpu.memory_space<hbm>>) target_semaphore(%run_scoped3A : memref<!tpu.dma_semaphore, #tpu.memory_space<semaphore_mem>>)
      %dma_wait3A_11 = arith.constant 0 : i32
      %dma_wait3A_12 = tpu.memref_slice %arg4[%mul3A_2, %dma_wait3A_11] : memref<8192x256xf32, #tpu.memory_space<hbm>> -> memref<256x256xf32, #tpu.memory_space<hbm>>
      %dma_wait3A_13 = arith.constant 0 : i32
      %dma_wait3A_14 = tpu.memref_slice %arg4[%mul3A_2, %dma_wait3A_13] : memref<8192x256xf32, #tpu.memory_space<hbm>> -> memref<256x256xf32, #tpu.memory_space<hbm>>
      tpu.wait_dma2 semaphore(%run_scoped3A : memref<!tpu.dma_semaphore, #tpu.memory_space<semaphore_mem>>) src(%arg6 : memref<256x256xf32, #tpu.memory_space<vmem>>) dst(%dma_wait3A_14 : memref<256x256xf32, #tpu.memory_space<hbm>>)
      tpu.yield
    }) : () -> ()
    return
  }
}

#map = affine_map<(d0, d1) -> (0, 0)>
#map1 = affine_map<(d0, d1) -> (0)>
module attributes {stable_mosaic.version = 14 : i64} {
  func.func @k(%arg0: i32, %arg1: i32, %arg2: memref<8192x256xf32, #tpu.memory_space<hbm>>, %arg3: memref<8192xi32, #tpu.memory_space<hbm>>, %arg4: memref<8192x256xf32, #tpu.memory_space<hbm>>, %arg5: memref<256xi32, #tpu.memory_space<vmem>>, %arg6: memref<256x256xf32, #tpu.memory_space<vmem>>, %arg7: memref<!tpu.dma_semaphore, #tpu.memory_space<semaphore_mem>>) attributes {dimension_semantics = [#tpu.dimension_semantics<core_parallel>, #tpu.dimension_semantics<subcore_parallel>], iteration_bounds = array<i64: 2, 16>, scalar_prefetch = 0 : i64, scratch_operands = 3 : i64, tpu.core_type = #tpu.core_type<sc_vector_subcore>, window_params = [{transform_indices = #map}, {transform_indices = #map1}, {transform_indices = #map}]} {
    %mul3A = arith.constant 2 : i32
    %mul3A_0 = arith.muli %arg1, %mul3A : i32
    %add3A = arith.addi %mul3A_0, %arg0 : i32
    %mul3A_1 = arith.constant 256 : i32
    %mul3A_2 = arith.muli %add3A, %mul3A_1 : i32
    "tpu.region"() ({
      %run_scoped3A = tpu.sem_alloc : memref<!tpu.dma_semaphore, #tpu.memory_space<semaphore_mem>>
      %dma_start3A_7 = tpu.memref_slice %arg3[%mul3A_2] : memref<8192xi32, #tpu.memory_space<hbm>> -> memref<256xi32, #tpu.memory_space<hbm>>
      %dma_start3A_8 = tpu.memref_slice %arg3[%mul3A_2] : memref<8192xi32, #tpu.memory_space<hbm>> -> memref<256xi32, #tpu.memory_space<hbm>>
      tpu.enqueue_dma source(%dma_start3A_8 : memref<256xi32, #tpu.memory_space<hbm>>) target(%arg5 : memref<256xi32, #tpu.memory_space<vmem>>) target_semaphore(%run_scoped3A : memref<!tpu.dma_semaphore, #tpu.memory_space<semaphore_mem>>)
      %dma_wait3A_9 = tpu.memref_slice %arg3[%mul3A_2] : memref<8192xi32, #tpu.memory_space<hbm>> -> memref<256xi32, #tpu.memory_space<hbm>>
      %dma_wait3A_10 = tpu.memref_slice %arg3[%mul3A_2] : memref<8192xi32, #tpu.memory_space<hbm>> -> memref<256xi32, #tpu.memory_space<hbm>>
      tpu.wait_dma2 semaphore(%run_scoped3A : memref<!tpu.dma_semaphore, #tpu.memory_space<semaphore_mem>>) src(%dma_wait3A_10 : memref<256xi32, #tpu.memory_space<hbm>>) dst(%arg5 : memref<256xi32, #tpu.memory_space<vmem>>)
      tpu.yield
    }) : () -> ()
    %dma_start3A = arith.constant 0 : i32
    %dma_start3A_3 = arith.constant 0 : i32
    %dma_start3A_4 = tpu.memref_slice %arg2[%dma_start3A, %dma_start3A_3] : memref<8192x256xf32, #tpu.memory_space<hbm>> -> memref<8192x256xf32, #tpu.memory_space<hbm>>
    tpu.enqueue_indirect_dma source(%dma_start3A_4 : memref<8192x256xf32, #tpu.memory_space<hbm>>) target(%arg6 : memref<256x256xf32, #tpu.memory_space<vmem>>) offsets(%arg5 : memref<256xi32, #tpu.memory_space<vmem>>) semaphore(%arg7 : memref<!tpu.dma_semaphore, #tpu.memory_space<semaphore_mem>>)
    %dma_wait3A = arith.constant 0 : i32
    %dma_wait3A_5 = arith.constant 0 : i32
    %dma_wait3A_6 = tpu.memref_slice %arg2[%dma_wait3A, %dma_wait3A_5] : memref<8192x256xf32, #tpu.memory_space<hbm>> -> memref<8192x256xf32, #tpu.memory_space<hbm>>
    tpu.wait_indirect_dma semaphore(%arg7 : memref<!tpu.dma_semaphore, #tpu.memory_space<semaphore_mem>>) src(%dma_wait3A_6 : memref<8192x256xf32, #tpu.memory_space<hbm>>) dst(%arg6 : memref<256x256xf32, #tpu.memory_space<vmem>>)
    "tpu.region"() ({
      %run_scoped3A = tpu.sem_alloc : memref<!tpu.dma_semaphore, #tpu.memory_space<semaphore_mem>>
      %dma_start3A_7 = arith.constant 0 : i32
      %dma_start3A_8 = tpu.memref_slice %arg4[%mul3A_2, %dma_start3A_7] : memref<8192x256xf32, #tpu.memory_space<hbm>> -> memref<256x256xf32, #tpu.memory_space<hbm>>
      %dma_start3A_9 = arith.constant 0 : i32
      %dma_start3A_10 = tpu.memref_slice %arg4[%mul3A_2, %dma_start3A_9] : memref<8192x256xf32, #tpu.memory_space<hbm>> -> memref<256x256xf32, #tpu.memory_space<hbm>>
      tpu.enqueue_dma source(%arg6 : memref<256x256xf32, #tpu.memory_space<vmem>>) target(%dma_start3A_10 : memref<256x256xf32, #tpu.memory_space<hbm>>) target_semaphore(%run_scoped3A : memref<!tpu.dma_semaphore, #tpu.memory_space<semaphore_mem>>)
      %dma_wait3A_11 = arith.constant 0 : i32
      %dma_wait3A_12 = tpu.memref_slice %arg4[%mul3A_2, %dma_wait3A_11] : memref<8192x256xf32, #tpu.memory_space<hbm>> -> memref<256x256xf32, #tpu.memory_space<hbm>>
      %dma_wait3A_13 = arith.constant 0 : i32
      %dma_wait3A_14 = tpu.memref_slice %arg4[%mul3A_2, %dma_wait3A_13] : memref<8192x256xf32, #tpu.memory_space<hbm>> -> memref<256x256xf32, #tpu.memory_space<hbm>>
      tpu.wait_dma2 semaphore(%run_scoped3A : memref<!tpu.dma_semaphore, #tpu.memory_space<semaphore_mem>>) src(%arg6 : memref<256x256xf32, #tpu.memory_space<vmem>>) dst(%dma_wait3A_14 : memref<256x256xf32, #tpu.memory_space<hbm>>)
      tpu.yield
    }) : () -> ()
    return
  }
}

module attributes {stable_mosaic.version = 14 : i64} {
  func.func @_pad_body(%arg0: i32, %arg1: i32, %arg2: memref<1x2048x200xf32, #tpu.memory_space<vmem>>, %arg3: memref<1x2048x256xf32, #tpu.memory_space<vmem>>) attributes {dimension_semantics = [#tpu.dimension_semantics<arbitrary>, #tpu.dimension_semantics<arbitrary>], iteration_bounds = array<i64: 2, 4>, scalar_prefetch = 0 : i64, scratch_operands = 0 : i64, tpu.core_type = #tpu.core_type<tc>, window_params = [{transform_indices = @transform_0, window_bounds = array<i64: 1, 2048, 200>}, {transform_indices = @transform_1, window_bounds = array<i64: 1, 2048, 256>}]} {
    %get3A = arith.constant 0 : index
    %get3A_0 = arith.constant 0 : index
    %get3A_1 = arith.constant 0 : index
    %get3A_2 = vector.load %arg2[%get3A, %get3A_0, %get3A_1] : memref<1x2048x200xf32, #tpu.memory_space<vmem>>, vector<1x2048x200xf32>
    %jit3A = arith.constant 0 : i32
    %convert_element_type3A = arith.sitofp %jit3A : i32 to f32
    %pad3A = vector.broadcast %convert_element_type3A : f32 to vector<1x2048x56xf32>
    %pad3A_3 = tpu.concatenate %get3A_2, %pad3A in 2 : vector<1x2048x200xf32>, vector<1x2048x56xf32> -> vector<1x2048x256xf32>
    %swap3A = arith.constant 0 : index
    %swap3A_4 = arith.constant 0 : index
    %swap3A_5 = arith.constant 0 : index
    %swap3A_6 = vector.load %arg3[%swap3A, %swap3A_4, %swap3A_5] : memref<1x2048x256xf32, #tpu.memory_space<vmem>>, vector<1x2048x256xf32>
    tpu.vector_store %arg3[%swap3A, %swap3A_4, %swap3A_5], %pad3A_3 {strides = array<i32>} : memref<1x2048x256xf32, #tpu.memory_space<vmem>>, vector<1x2048x256xf32>,
    return
  }
  func.func @transform_0(%arg0: i32, %arg1: i32) -> (i32, i32, i32) {
    %c0_i32 = arith.constant 0 : i32
    %c0_i32_0 = arith.constant 0 : i32
    return %arg0, %arg1, %c0_i32 : i32, i32, i32
  }
  func.func @transform_1(%arg0: i32, %arg1: i32) -> (i32, i32, i32) {
    %c0_i32 = arith.constant 0 : i32
    %c0_i32_0 = arith.constant 0 : i32
    return %arg0, %arg1, %c0_i32 : i32, i32, i32
  }
}

module attributes {stable_mosaic.version = 14 : i64} {
  func.func @_dist_body(%arg0: i32, %arg1: memref<256x200xf32, #tpu.memory_space<vmem>>, %arg2: memref<256x1xf32, #tpu.memory_space<vmem>>, %arg3: memref<8192x200xf32, #tpu.memory_space<vmem>>, %arg4: memref<1x8192xf32, #tpu.memory_space<vmem>>, %arg5: memref<1x1x256xi32, #tpu.memory_space<vmem>>) attributes {dimension_semantics = [#tpu.dimension_semantics<arbitrary>], iteration_bounds = array<i64: 32>, scalar_prefetch = 0 : i64, scratch_operands = 0 : i64, tpu.core_type = #tpu.core_type<tc>, window_params = [{transform_indices = @transform_0, window_bounds = array<i64: 256, 200>}, {transform_indices = @transform_1, window_bounds = array<i64: 256, 1>}, {pipeline_mode = #tpu.pipeline_mode<synchronous>, transform_indices = @transform_2, window_bounds = array<i64: 8192, 200>}, {pipeline_mode = #tpu.pipeline_mode<synchronous>, transform_indices = @transform_3, window_bounds = array<i64: 1, 8192>}, {transform_indices = @transform_4, window_bounds = array<i64: 1, 1, 256>}]} {
    %get3A = arith.constant 0 : index
    %get3A_0 = arith.constant 0 : index
    %get3A_1 = vector.load %arg1[%get3A, %get3A_0] : memref<256x200xf32, #tpu.memory_space<vmem>>, vector<256x200xf32>
    %get3A_2 = arith.constant 0 : index
    %get3A_3 = arith.constant 0 : index
    %get3A_4 = vector.load %arg3[%get3A_2, %get3A_3] : memref<8192x200xf32, #tpu.memory_space<vmem>>, vector<8192x200xf32>
    %dot_general3A = arith.constant dense<0.000000e+00> : vector<256x8192xf32>
    %dot_general3A_5 = tpu.matmul %get3A_1, %get3A_4, %dot_general3A {dimension_numbers = #tpu.dot_dimension_numbers<[1], [1], [0], [0], [0, 0, 1, 0], [], []>, transpose_lhs_hint = false} : vector<256x200xf32>, vector<8192x200xf32>, vector<256x8192xf32> -> vector<256x8192xf32>
    %get3A_6 = arith.constant 0 : index
    %get3A_7 = arith.constant 0 : index
    %get3A_8 = vector.load %arg2[%get3A_6, %get3A_7] : memref<256x1xf32, #tpu.memory_space<vmem>>, vector<256x1xf32>
    %mul3A = arith.constant 2.000000e+00 : f32
    %mul3A_9 = vector.broadcast %mul3A : f32 to vector<256x8192xf32>
    %mul3A_10 = arith.mulf %mul3A_9, %dot_general3A_5 : vector<256x8192xf32>
    %sub3A = vector.broadcast %get3A_8 : vector<256x1xf32> to vector<256x8192xf32>
    %sub3A_11 = arith.subf %sub3A, %mul3A_10 : vector<256x8192xf32>
    %get3A_12 = arith.constant 0 : index
    %get3A_13 = arith.constant 0 : index
    %get3A_14 = vector.load %arg4[%get3A_12, %get3A_13] : memref<1x8192xf32, #tpu.memory_space<vmem>>, vector<1x8192xf32>
    %add3A = vector.broadcast %get3A_14 : vector<1x8192xf32> to vector<256x8192xf32>
    %add3A_15 = arith.addf %sub3A_11, %add3A : vector<256x8192xf32>
    %reduce_min3A = arith.constant dense<0x7F800000> : vector<256xf32>
    %reduce_min3A_16 = vector.multi_reduction <minimumf>, %add3A_15, %reduce_min3A [1] : vector<256x8192xf32> to vector<256xf32>
    %broadcast_in_dim3A = vector.shape_cast %reduce_min3A_16 : vector<256xf32> to vector<256x1xf32>
    %iota3A = tpu.iota {dimensions = array<i32: 1>} : vector<256x8192xi32>
    %eq3A = vector.broadcast %broadcast_in_dim3A : vector<256x1xf32> to vector<256x8192xf32>
    %eq3A_17 = arith.cmpf oeq, %add3A_15, %eq3A : vector<256x8192xf32>
    %jit3A = arith.constant 8192 : i32
    %broadcast_in_dim3A_18 = vector.broadcast %jit3A : i32 to vector<256x8192xi32>
    %select_n3A = arith.select %eq3A_17, %iota3A, %broadcast_in_dim3A_18 : vector<256x8192xi1>, vector<256x8192xi32>
    %reduce_min3A_19 = arith.constant dense<2147483647> : vector<256xi32>
    %reduce_min3A_20 = vector.multi_reduction <minsi>, %select_n3A, %reduce_min3A_19 [1] : vector<256x8192xi32> to vector<256xi32>
    %reshape3A = vector.shape_cast %reduce_min3A_20 : vector<256xi32> to vector<1x1x256xi32>
    %swap3A = arith.constant 0 : index
    %swap3A_21 = arith.constant 0 : index
    %swap3A_22 = arith.constant 0 : index
    %swap3A_23 = vector.load %arg5[%swap3A, %swap3A_21, %swap3A_22] : memref<1x1x256xi32, #tpu.memory_space<vmem>>, vector<1x1x256xi32>
    tpu.vector_store %arg5[%swap3A, %swap3A_21, %swap3A_22], %reshape3A {strides = array<i32>} : memref<1x1x256xi32, #tpu.memory_space<vmem>>, vector<1x1x256xi32>,
    return
  }
  func.func @transform_0(%arg0: i32) -> (i32, i32) {
    %c0_i32 = arith.constant 0 : i32
    %c0_i32_0 = arith.constant 0 : i32
    return %arg0, %c0_i32 : i32, i32
  }
  func.func @transform_1(%arg0: i32) -> (i32, i32) {
    %c0_i32 = arith.constant 0 : i32
    %c0_i32_0 = arith.constant 0 : i32
    return %arg0, %c0_i32 : i32, i32
  }
  func.func @transform_2(%arg0: i32) -> (i32, i32) {
    %c0_i32 = arith.constant 0 : i32
    %c0_i32_0 = arith.constant 0 : i32
    %c0_i32_1 = arith.constant 0 : i32
    return %c0_i32, %c0_i32_0 : i32, i32
  }
  func.func @transform_3(%arg0: i32) -> (i32, i32) {
    %c0_i32 = arith.constant 0 : i32
    %c0_i32_0 = arith.constant 0 : i32
    %c0_i32_1 = arith.constant 0 : i32
    return %c0_i32, %c0_i32_0 : i32, i32
  }
  func.func @transform_4(%arg0: i32) -> (i32, i32, i32) {
    %c0_i32 = arith.constant 0 : i32
    %c0_i32_0 = arith.constant 0 : i32
    %c0_i32_1 = arith.constant 0 : i32
    return %arg0, %c0_i32, %c0_i32_0 : i32, i32, i32
  }
}

</mosaic_0001>

<sc_bundles>
// kernel: kernel.10.cloned.1.call-start
scs
__scs_entry_jumppad:
0x0: {  	(pc) =	sbr.rel $0x88, $3  }
0x1: {  	(tag) =	ssettag $0x0;
	lr =	simm.s32 $0x1  }
0x2: {  	[smem:$0x3F7F] =	sst lr;
	_ =	strace $0xD0000000  }
0x3: {  	_ = 	snop  }
0x4: {  	_ = 	snop  }
0x5: {  	_ = 	snop  }
0x6: {  	_ = 	snop  }
0x7: {  	_ = 	snop  }
__scs_overlays_trampoline_lowered:
0x8: {  	[smem:$0x3F8E] =	sst s0  }
0x9: {  	[smem:$0x3F8F] =	sst s1  }
0xa: {  	[smem:$0x3F90] =	sst s2  }
0xb: {  	[smem:$0x3F91] =	sst s3  }
0xc: {  	[smem:$0x3F92] =	sst s4  }
0xd: {  	[smem:$0x3F93] =	sst s5  }
0xe: {  	[smem:$0x3F94] =	sst s6  }
0xf: {  	[smem:$0x3F95] =	sst s7  }
0x10: {  	[smem:$0x3F96] =	sst s8  }
0x11: {  	[smem:$0x3F97] =	sst s9;
	s0 =	simm.s32 @!p0 $0x0  }
0x12: {  	s1 =	sld [smem:$0x3F7D];
	s0 =	simm.s32 @p0 $0x1  }
0x13: {  	[smem:$0x3F98] =	sst s0;
	s0 =	simm.s32 @!p1 $0x0  }
0x14: {  	s2 =	sld [smem:$0x3F7C];
	s0 =	simm.s32 @p1 $0x1  }
0x15: {  	[smem:$0x3F99] =	sst s0;
	s0 =	simm.s32 @!p2 $0x0  }
0x16: {  	s3 =	sld [smem:$0x3FDB];
	s0 =	simm.s32 @p2 $0x1  }
0x17: {  	s4 =	simm.s32 $0x1BF5;
	[smem:$0x3F9B] =	sst s0  }
0x18: {  	s0 =	sld [smem:$0x3F7E];
	_ =	swait.ge [sflag:s4], $0x0  }
0x19: {  	s7 =	sld [smem:$0x3F7F]  }
0x1a: {  	s8 =	sadd.s32 $0xFFFFE003, lr  }
0x1b: {  	s9 =	sadd.s32 $0xFFFFFEF7, lr;
	s5 =	simm.s32 $0xFFFFFFFF;
	p2 =	slt.u32 s8, $0xFFFFF086  }
0x1c: {  	p1 =	slt.u32 s9, $0xF7A;
	s5 =	simm.s32 @!p2 $0x0  }
0x1d: {  	s5 =	simm.s32 @p1 $0x1;
	p0 =	seq.s32 s7, s2  }
0x1e: {  	s7 =	smul.u32 @!p0 $0xF7A, s2;
	p2 =	seq.s32 @!p0 s5, $0x0  }
0x1f: {  	s9 =	smul.u32 $0xF7A, s1;
	s8 =	simm.s32 @!p0 $0x1BF5;
	p2 =	por !p2, p0  }
0x20: {  	[sflag:s8] =	ssyncset.s32 @!p0 $0xFFFFF086;
	s6 =	sadd.s32 @!p0 s3, s7;
	s7 =	simm.s32 @!p0 $0x108  }
0x21: {  	s3 =	sadd.s32 s3, s9;
	s6 =	sadd.s32 @!p0 $0x88, s6;
	s7 =	simm.s32 @p2 $0x1082  }
0x22: {  	[simem:s7], [sflag:s8] =	dma.local @!p0 [hbm:s6], $0xF7A  }
0x23: {  	s9 =	sor.u32 $0xD0000000, s2;
	s6 =	simm.s32 $0x108;
	_ =	swait.ge @!p0 [sflag:s8], $0x0  }
0x24: {  	s3 =	sadd.s32 $0x88, s3;
	s6 =	simm.s32 @!p1 $0x1082;
	[sflag:s4] =	ssyncset.s32 $0xFFFFF086  }
0x25: {  	[simem:s6], [sflag:s4] =	dma.local [hbm:s3], $0xF7A  }
0x26: {  	[smem:$0x3F7F] =	sst s1;
	(tag) =	ssettag s2;
	_ =	strace s9  }
0x27: {  	s1 =	sld [smem:$0x3F8F]  }
0x28: {  	s2 =	sld [smem:$0x3F90]  }
0x29: {  	s4 =	sld [smem:$0x3F92]  }
0x2a: {  	p0 =	seq.s32 s5, $0x0;
	s5 =	sld [smem:$0x3F93]  }
0x2b: {  	s6 =	sld [smem:$0x3F94]  }
0x2c: {  	s7 =	sld [smem:$0x3F95]  }
0x2d: {  	s3 =	simm.s32 $0x108;
	s8 =	sld [smem:$0x3F96]  }
0x2e: {  	s3 =	simm.s32 @!p0 $0x1082;
	s9 =	sld [smem:$0x3F97]  }
0x2f: {  	lr =	sadd.s32 s0, s3;
	s0 =	sld [smem:$0x3F8E]  }
0x30: {  	s3 =	sld [smem:$0x3F91]  }
0x31: {  	[smem:$0x3F9A] =	sst s10  }
0x32: {  	s10 =	sld [smem:$0x3F98];
	_ =	sdelay $0x3  }
0x33: {  	p0 =	seq.s32 s10, $0x1;
	s10 =	sld [smem:$0x3F9A];
	_ =	sdelay $0x3  }
0x34: {  	[smem:$0x3F9A] =	sst s10  }
0x35: {  	s10 =	sld [smem:$0x3F99];
	_ =	sdelay $0x3  }
0x36: {  	p1 =	seq.s32 s10, $0x1;
	s10 =	sld [smem:$0x3F9A];
	_ =	sdelay $0x3  }
0x37: {  	[smem:$0x3F9A] =	sst s10  }
0x38: {  	s10 =	sld [smem:$0x3F9B]  }
0x39: {  	_ = 	snop;
	(pc) =	sbr.ind lr, $3  }
0x3a: {  	_ = 	snop  }
0x3b: {  	_ = 	snop  }
0x3c: {  	p2 =	seq.s32 s10, $0x1;
	s10 =	sld [smem:$0x3F9A]  }
0x3d: {  	_ =	shalt  }
0x3e: {  	_ =	shalt  }
0x3f: {  	_ =	shalt  }
0x40: {  	_ =	shalt  }
0x41: {  	_ =	shalt  }
0x42: {  	_ =	shalt  }
0x43: {  	_ =	shalt  }
0x44: {  	_ =	shalt  }
0x45: {  	_ =	shalt  }
0x46: {  	_ =	shalt  }
0x47: {  	_ =	shalt  }
0x48: {  	_ =	shalt  }
0x49: {  	_ =	shalt  }
0x4a: {  	_ =	shalt  }
0x4b: {  	_ =	shalt  }
0x4c: {  	_ =	shalt  }
0x4d: {  	_ =	shalt  }
0x4e: {  	_ =	shalt  }
0x4f: {  	_ =	shalt  }
0x50: {  	_ =	shalt  }
0x51: {  	_ =	shalt  }
0x52: {  	_ =	shalt  }
0x53: {  	_ =	shalt  }
0x54: {  	_ =	shalt  }
0x55: {  	_ =	shalt  }
0x56: {  	_ =	shalt  }
0x57: {  	_ =	shalt  }
0x58: {  	_ =	shalt  }
0x59: {  	_ =	shalt  }
0x5a: {  	_ =	shalt  }
0x5b: {  	_ =	shalt  }
0x5c: {  	_ =	shalt  }
0x5d: {  	_ =	shalt  }
0x5e: {  	_ =	shalt  }
0x5f: {  	_ =	shalt  }
0x60: {  	_ =	shalt  }
0x61: {  	_ =	shalt  }
0x62: {  	_ =	shalt  }
0x63: {  	_ =	shalt  }
0x64: {  	_ =	shalt  }
0x65: {  	_ =	shalt  }
0x66: {  	_ =	shalt  }
0x67: {  	_ =	shalt  }
0x68: {  	_ =	shalt  }
0x69: {  	_ =	shalt  }
0x6a: {  	_ =	shalt  }
0x6b: {  	_ =	shalt  }
0x6c: {  	_ =	shalt  }
0x6d: {  	_ =	shalt  }
0x6e: {  	_ =	shalt  }
0x6f: {  	_ =	shalt  }
0x70: {  	_ =	shalt  }
0x71: {  	_ =	shalt  }
0x72: {  	_ =	shalt  }
0x73: {  	_ =	shalt  }
0x74: {  	_ =	shalt  }
0x75: {  	_ =	shalt  }
0x76: {  	_ =	shalt  }
0x77: {  	_ =	shalt  }
0x78: {  	_ =	shalt  }
0x79: {  	_ =	shalt  }
0x7a: {  	_ =	shalt  }
0x7b: {  	_ =	shalt  }
0x7c: {  	_ =	shalt  }
0x7d: {  	_ =	shalt  }
0x7e: {  	_ =	shalt  }
0x7f: {  	_ =	shalt  }
0x80: {  	_ =	shalt  }
0x81: {  	_ =	shalt  }
0x82: {  	_ =	shalt  }
0x83: {  	_ =	shalt  }
0x84: {  	_ =	shalt  }
0x85: {  	_ =	shalt  }
0x86: {  	_ =	shalt  }
0x87: {  	_ =	shalt  }
.Lfunc_end0:
.L_simem_size_0:
called_computation.1_lowered:
.L_overlay_start_0:
0x88: {  	s2 =	sld [smem:$0x3FD9]  }
0x89: {  	s3 =	sld [smem:$0x3FFE];
	_ =	sdelay $0x1  }
0x8a: {  	s1 =	srdreg.scid  }
0x8b: {  	s0 =	sand.u32 $0x1, s1  }
0x8c: {  	s16 =	sshll.u32 s0, $0xA;
	s2 =	sadd.s32 s3, s2  }
0x8d: {  	s2 =	sadd.s32 s2, s16  }
0x8e: {  	[smem:$0x3FA6] =	sst s2  }
0x8f: {  	_ = 	snop  }
0x90: {  	(tm) =	ssettm $0x1  }
0x91: {  	s17 =	sld [smem:$0x3FFB];
	_ =	sdelay $0x3  }
0x92: {  	_ =	strace s17  }
0x93: {  	s2 =	sld [smem:$0x3FFC];
	_ =	sdelay $0x3  }
0x94: {  	_ =	strace s2  }
0x95: {  	s2 =	sld [smem:$0x3FFD];
	_ =	sdelay $0x3  }
0x96: {  	_ =	strace s2  }
0x97: {  	_ =	strace $0x8FFFFFFF  }
0x98: {  	s18 =	sld [smem:$0x3FDB];
	_ =	sdelay $0x1  }
0x99: {  	s19 =	simm.s32 $_scs_section_size  }
0x9a: {  	s4 =	simm.s32 $_size__tile_overlayer_lowered;
	s5 =	simm.s32 $_tile_overlayer_lowered  }
0x9b: {  	s22 =	simm.s32 $0x1BFF;
	s21 =	sshll.u32 s5, $0x1;
	s2 =	sadd.s32 s19, s18  }
0x9c: {  	s6 =	simm.s32 $0x0;
	s20 =	sshll.u32 s4, $0x1;
	s4 =	sadd.s32 s21, s2  }
0x9d: {  	[timem:s6], [sflag:s22] =	dma.local [hbm:s4], s20  }
0x9e: {  	_ =	swait.ge [sflag:s22], s20  }
0x9f: {  	s3 =	ssub.s32 $0x0, s20;
	[sflag:s22] =	ssyncset.done $0x0  }
0xa0: {  	[sflag:s22] =	ssyncadd.s32 s3;
	_ =	sdelay $0x1  }
0xa1: {  	s23 =	simm.s32 $0x1B8B  }
0xa2: {  	_ =	swait.ge [sflag:s23], $0x1  }
0xa3: {  	[sflag:s23] =	ssyncset.done $0x0  }
0xa4: {  	s25 =	simm.s32 $0x1B8E;
	s24 =	sld [smem:$0x3FFE];
	[sflag:s23] =	ssyncadd.s32 $0xFFFFFFFF  }
0xa5: {  	s26 =	simm.s32 $execute0_lowered;
	[smem:$0x3FD2] =	sst s25  }
0xa6: {  	s4 =	sshll.u32 s26, $0x1;
	_ =	strace $0x80000049;
	[dreg:$0x1] =	wrdreg $0xFFFFFFFF  }
0xa7: {  	s28 =	simm.s32 $_size_execute0_lowered;
	s2 =	sadd.s32 s2, s4;
	[dreg:$0x0] =	wrdreg $0x0  }
0xa8: {  	s4 =	sshll.u32 s28, $0x1;
	[dreg:$0x2] =	wrdreg s2  }
0xa9: {  	[dreg:$0x3] =	wrdreg s4  }
0xaa: {  	[dreg:$0x4] =	wrdreg $0xC0  }
0xab: {  	_ =	task [dreg:s6], $0x5FFFF  }
0xac: {  	[dreg:$0x1] =	wrdreg $0xFFFFFFFF  }
0xad: {  	[dreg:$0x0] =	wrdreg $0x60  }
0xae: {  	[dreg:$0x2] =	wrdreg s24  }
0xaf: {  	[dreg:$0x3] =	wrdreg $0x9  }
0xb0: {  	_ =	task.clear_ibuf [dreg:s6], $0x4FFFF;
	_ =	strace $0x90000049  }
0xb1: {  	s29 =	simm.s32 $0x9;
	_ =	strace $0x8000004B  }
0xb2: {  	_ =	swait.ge [sflag:s29], $0x1  }
0xb3: {  	[sflag:s29] =	ssyncadd.s32 $0xFFFFFFFF  }
0xb4: {  	_ =	strace $0x9000004B  }
0xb5: {  	_ =	sfence  }
0xb6: {  	s30 =	sld [smem:$0x0];
	_ =	sdelay $0x2  }
0xb7: {  	s31 =	sshll.u32 s1, $0xD;
	s1 =	sshrl.u32 s1, $0x2  }
0xb8: {  	s3 =	sand.u32 $0x4000, s31;
	s1 =	sadd.s32 s1, s30  }
0xb9: {  	s0 =	sor.u32 s3, s0;
	s1 =	sshll.u32 s1, $0x11  }
0xba: {  	s0 =	sor.u32 s1, s0  }
0xbb: {  	s0 =	sadd.s32 $0x8F2B, s0  }
0xbc: {  	[sflag:s0] =	ssyncadd.remote.s32 $0x1  }
0xbd: {  	_ =	sfence.sel $0xFFFF  }
0xbe: {  	[dreg:$0x0] =	wrdreg $0xFFFFFFFF;
	(pc) =	sbr.abs _section_cstart, $3  }
0xbf: {  	[dreg:$0x1] =	wrdreg $0xFFFFFFFF  }
0xc0: {  	_ =	task.clear_ibuf [dreg:s6], $0x2FFFF;
	_ =	strace $0x9FFFFFFF  }
0xc1: {  	(tm) =	ssettm $0x7FFFFFFF  }
tec
execute0_lowered:
.L_overlay_start_1:
0x0: {  	(tag) =	ssettag $0x1  }
0x1: {  	s1 =	srdreg.scid;
	s0 =	stileid.u32  }
0x2: {  	s4 =	rddreg [dreg:$0x0];
	s19 =	simm.s32 $0x900;
	s20 =	simm.s32 $0x1100  }
0x3: {  	s21 =	simm.s32 $0x1900;
	s23 =	simm.s32 $0x2100;
	s24 =	simm.s32 $0x2900  }
0x4: {  	s25 =	simm.s32 $0x3100;
	s26 =	simm.s32 $0x3900;
	s6 =	simm.s32 $0x100  }
0x5: {  	s8 =	simm.s32 $0x4900;
	s9 =	simm.s32 $0x5100;
	s10 =	simm.s32 $0x5900  }
0x6: {  	s11 =	simm.s32 $0x6100;
	s12 =	simm.s32 $0x6900;
	s13 =	simm.s32 $0x7100  }
0x7: {  	s14 =	simm.s32 $0x7900;
	s15 =	simm.s32 $0x8100;
	s1 =	sand.u32 $0x1, s1  }
0x8: {  	s16 =	simm.s32 $0x8900;
	s2 =	sshll.u32 s0, $0x9;
	s3 =	sshll.u32 s1, $0x8  }
0x9: {  	s17 =	simm.s32 $0x9100;
	s3 =	sor.u32 s3, s2;
	s2 =	simm.s32 $0x0  }
0xa: {  	s18 =	simm.s32 $0x9900;
	s28 =	simm.s32 $0xE100;
	[smem:$0x7FF] =	sst s2  }
0xb: {  	s29 =	simm.s32 $0xE900;
	_ =	strace $0x8000004A;
	[dreg:$0x4] =	wrdreg s19  }
0xc: {  	s30 =	simm.s32 $0xF100;
	s1 =	ssub.s32 $0x2, s1;
	[dreg:$0x5] =	wrdreg s20  }
0xd: {  	s31 =	simm.s32 $0xF900;
	s22 =	sshrl.u32 s1, $0x1;
	[dreg:$0x6] =	wrdreg s21  }
0xe: {  	s5 =	sshrl.u32 s3, $0x3;
	s3 =	sshll.u32 s3, $0x5;
	[dreg:$0x7] =	wrdreg s23  }
0xf: {  	s1 =	ssub.s32 s1, s22;
	s22 =	simm.s32 $0xB900;
	[dreg:$0x8] =	wrdreg s24  }
0x10: {  	s5 =	sadd.s32 s5, s4;
	s3 =	sadd.s32 s4, s3;
	[dreg:$0x9] =	wrdreg s25  }
0x11: {  	[dreg:$0xa] =	wrdreg s26;
	s19 =	simm.s32 $0xA100;
	s20 =	simm.s32 $0xA900  }
0x12: {  	s21 =	simm.s32 $0xB100;
	s23 =	simm.s32 $0xC100;
	s24 =	simm.s32 $0xC900  }
0x13: {  	v2 =	vlaneseq.u32;
	s25 =	simm.s32 $0xD100;
	s26 =	simm.s32 $0xD900;
	s5 =	sadd.s32 $0x80000, s5  }
0x14: {  	vm0 =	vmmov $0xffff;
	v1 =	vshrl.u32 v2, $0x3;
	[dreg:$0x3] =	wrdreg s3;
	s3 =	sadd.s32 $0x40000, s4;
	s4 =	smax.u32 s1, $0x1  }
0x15: {  	v0 =	vand.u32 $0x7, v2;
	v2 =	vor.u32 $0x8, v2;
	v1 =	vmul.u32 $0x8, v1;
	s1 =	simm.s32 $0x1;
	[dreg:$0x2] =	wrdreg s5;
	s5 =	simm.s32 $0x2  }
.LBB2_1:
0x16: {  	s0 =	rddreg [dreg:$0x2]  }
0x17: {  	[tilespmem:s2], [sflag:$0x2] =	stream.linear.gather [hbm4b:s0+s2], $0x100, $0x38;
	[tilespmem:$0x10100] =	vst v63  }
0x18: {  	_ =	swait.ge [sflag:s5], $0x100  }
0x19: {  	[sflag:s5] =	ssyncset.done $0x0  }
0x1a: {  	[sflag:s5] =	ssyncadd.s32 $0xFFFFFF00  }
0x1b: {  	v3 =	vld [tilespmem:$0x0];
	_ =	sdelay $0x4  }
0x1c: {  	v4 =	vshll.u32 v3, $0x1  }
0x1d: {  	v3 =	vand.u32 $0x7, v3;
	v4 =	vand.u32 $0xFFFFFFF0, v4  }
0x1e: {  	v3 =	vor.u32 v3, v4  }
0x1f: {  	v4 =	vperm.xlane v3, v0;
	_ =	sdelay $0x1  }
0x20: {  	v3 =	vperm.xlane v3, v2;
	v4 =	vadd.s32 v1, v4;
	_ =	sdelay $0x1  }
0x21: {  	v3 =	vadd.s32 v1, v3;
	_ =	sdelay $0x2  }
0x22: {  	[tilespmem:s6], [sflag:$0x1] =	stream.indirect_vreg.gather [hbm4b:s3+s2], $0x80, v4, vm0, $0xb8;
	[tilespmem:$0x10100] =	vst v63  }
0x23: {  	s7 =	rddreg [dreg:$0x4]  }
0x24: {  	[tilespmem:s7], [sflag:$0x1] =	stream.indirect_vreg.gather [hbm4b:s3+s2], $0x80, v3, vm0, $0xb8;
	[tilespmem:$0x10100] =	vst v63  }
0x25: {  	v3 =	vld [tilespmem:$0x10];
	_ =	sdelay $0x4  }
0x26: {  	v49 =	vshll.u32 v3, $0x1  }
0x27: {  	v3 =	vand.u32 $0x7, v3;
	v4 =	vand.u32 $0xFFFFFFF0, v49  }
0x28: {  	v3 =	vor.u32 v3, v4  }
0x29: {  	v4 =	vperm.xlane v3, v0;
	_ =	sdelay $0x1  }
0x2a: {  	v3 =	vperm.xlane v3, v2;
	v4 =	vadd.s32 v1, v4;
	_ =	sdelay $0x1  }
0x2b: {  	v3 =	vadd.s32 v1, v3;
	_ =	sdelay $0x1  }
0x2c: {  	s0 =	rddreg [dreg:$0x5]  }
0x2d: {  	[tilespmem:s0], [sflag:$0x1] =	stream.indirect_vreg.gather [hbm4b:s3+s2], $0x80, v4, vm0, $0xb8;
	[tilespmem:$0x10100] =	vst v63  }
0x2e: {  	s7 =	rddreg [dreg:$0x6]  }
0x2f: {  	[tilespmem:s7], [sflag:$0x1] =	stream.indirect_vreg.gather [hbm4b:s3+s2], $0x80, v3, vm0, $0xb8;
	[tilespmem:$0x10100] =	vst v63  }
0x30: {  	v3 =	vld [tilespmem:$0x20];
	_ =	sdelay $0x4  }
0x31: {  	v50 =	vshll.u32 v3, $0x1  }
0x32: {  	v3 =	vand.u32 $0x7, v3;
	v4 =	vand.u32 $0xFFFFFFF0, v50  }
0x33: {  	v3 =	vor.u32 v3, v4  }
0x34: {  	v4 =	vperm.xlane v3, v0;
	_ =	sdelay $0x1  }
0x35: {  	v3 =	vperm.xlane v3, v2;
	v4 =	vadd.s32 v1, v4;
	_ =	sdelay $0x1  }
0x36: {  	v3 =	vadd.s32 v1, v3;
	_ =	sdelay $0x1  }
0x37: {  	s0 =	rddreg [dreg:$0x7]  }
0x38: {  	[tilespmem:s0], [sflag:$0x1] =	stream.indirect_vreg.gather [hbm4b:s3+s2], $0x80, v4, vm0, $0xb8;
	[tilespmem:$0x10100] =	vst v63  }
0x39: {  	s7 =	rddreg [dreg:$0x8]  }
0x3a: {  	[tilespmem:s7], [sflag:$0x1] =	stream.indirect_vreg.gather [hbm4b:s3+s2], $0x80, v3, vm0, $0xb8;
	[tilespmem:$0x10100] =	vst v63  }
0x3b: {  	v3 =	vld [tilespmem:$0x30];
	_ =	sdelay $0x4  }
0x3c: {  	v51 =	vshll.u32 v3, $0x1  }
0x3d: {  	v3 =	vand.u32 $0x7, v3;
	v4 =	vand.u32 $0xFFFFFFF0, v51  }
0x3e: {  	v3 =	vor.u32 v3, v4  }
0x3f: {  	v4 =	vperm.xlane v3, v0;
	_ =	sdelay $0x1  }
0x40: {  	v3 =	vperm.xlane v3, v2;
	v4 =	vadd.s32 v1, v4;
	_ =	sdelay $0x1  }
0x41: {  	v3 =	vadd.s32 v1, v3;
	_ =	sdelay $0x1  }
0x42: {  	s0 =	rddreg [dreg:$0x9]  }
0x43: {  	[tilespmem:s0], [sflag:$0x1] =	stream.indirect_vreg.gather [hbm4b:s3+s2], $0x80, v4, vm0, $0xb8;
	[tilespmem:$0x10100] =	vst v63  }
0x44: {  	s7 =	rddreg [dreg:$0xa]  }
0x45: {  	[tilespmem:s7], [sflag:$0x1] =	stream.indirect_vreg.gather [hbm4b:s3+s2], $0x80, v3, vm0, $0xb8;
	[tilespmem:$0x10100] =	vst v63  }
0x46: {  	v3 =	vld [tilespmem:$0x40];
	_ =	sdelay $0x4  }
0x47: {  	v52 =	vshll.u32 v3, $0x1  }
0x48: {  	v3 =	vand.u32 $0x7, v3;
	v4 =	vand.u32 $0xFFFFFFF0, v52  }
0x49: {  	v3 =	vor.u32 v3, v4  }
0x4a: {  	v4 =	vperm.xlane v3, v0;
	_ =	sdelay $0x1  }
0x4b: {  	v3 =	vperm.xlane v3, v2;
	v4 =	vadd.s32 v1, v4;
	_ =	sdelay $0x1  }
0x4c: {  	v3 =	vadd.s32 v1, v3;
	_ =	sdelay $0x1  }
0x4d: {  	s7 =	simm.s32 $0x4100  }
0x4e: {  	[tilespmem:s7], [sflag:$0x1] =	stream.indirect_vreg.gather [hbm4b:s3+s2], $0x80, v4, vm0, $0xb8;
	[tilespmem:$0x10100] =	vst v63  }
0x4f: {  	_ = 	snop  }
0x50: {  	[tilespmem:s8], [sflag:$0x1] =	stream.indirect_vreg.gather [hbm4b:s3+s2], $0x80, v3, vm0, $0xb8;
	[tilespmem:$0x10100] =	vst v63  }
0x51: {  	v3 =	vld [tilespmem:$0x50];
	_ =	sdelay $0x4  }
0x52: {  	v53 =	vshll.u32 v3, $0x1  }
0x53: {  	v3 =	vand.u32 $0x7, v3;
	v4 =	vand.u32 $0xFFFFFFF0, v53  }
0x54: {  	v3 =	vor.u32 v3, v4  }
0x55: {  	v4 =	vperm.xlane v3, v0;
	_ =	sdelay $0x1  }
0x56: {  	v3 =	vperm.xlane v3, v2;
	v4 =	vadd.s32 v1, v4;
	_ =	sdelay $0x1  }
0x57: {  	v3 =	vadd.s32 v1, v3;
	_ =	sdelay $0x2  }
0x58: {  	[tilespmem:s9], [sflag:$0x1] =	stream.indirect_vreg.gather [hbm4b:s3+s2], $0x80, v4, vm0, $0xb8;
	[tilespmem:$0x10100] =	vst v63  }
0x59: {  	_ = 	snop  }
0x5a: {  	[tilespmem:s10], [sflag:$0x1] =	stream.indirect_vreg.gather [hbm4b:s3+s2], $0x80, v3, vm0, $0xb8;
	[tilespmem:$0x10100] =	vst v63  }
0x5b: {  	v3 =	vld [tilespmem:$0x60];
	_ =	sdelay $0x4  }
0x5c: {  	v54 =	vshll.u32 v3, $0x1  }
0x5d: {  	v3 =	vand.u32 $0x7, v3;
	v4 =	vand.u32 $0xFFFFFFF0, v54  }
0x5e: {  	v3 =	vor.u32 v3, v4  }
0x5f: {  	v4 =	vperm.xlane v3, v0;
	_ =	sdelay $0x1  }
0x60: {  	v3 =	vperm.xlane v3, v2;
	v4 =	vadd.s32 v1, v4;
	_ =	sdelay $0x1  }
0x61: {  	v3 =	vadd.s32 v1, v3;
	_ =	sdelay $0x2  }
0x62: {  	[tilespmem:s11], [sflag:$0x1] =	stream.indirect_vreg.gather [hbm4b:s3+s2], $0x80, v4, vm0, $0xb8;
	[tilespmem:$0x10100] =	vst v63  }
0x63: {  	_ = 	snop  }
0x64: {  	[tilespmem:s12], [sflag:$0x1] =	stream.indirect_vreg.gather [hbm4b:s3+s2], $0x80, v3, vm0, $0xb8;
	[tilespmem:$0x10100] =	vst v63  }
0x65: {  	v3 =	vld [tilespmem:$0x70];
	_ =	sdelay $0x4  }
0x66: {  	v55 =	vshll.u32 v3, $0x1  }
0x67: {  	v3 =	vand.u32 $0x7, v3;
	v4 =	vand.u32 $0xFFFFFFF0, v55  }
0x68: {  	v3 =	vor.u32 v3, v4  }
0x69: {  	v4 =	vperm.xlane v3, v0;
	_ =	sdelay $0x1  }
0x6a: {  	v3 =	vperm.xlane v3, v2;
	v4 =	vadd.s32 v1, v4;
	_ =	sdelay $0x1  }
0x6b: {  	v3 =	vadd.s32 v1, v3;
	_ =	sdelay $0x2  }
0x6c: {  	[tilespmem:s13], [sflag:$0x1] =	stream.indirect_vreg.gather [hbm4b:s3+s2], $0x80, v4, vm0, $0xb8;
	[tilespmem:$0x10100] =	vst v63  }
0x6d: {  	_ = 	snop  }
0x6e: {  	[tilespmem:s14], [sflag:$0x1] =	stream.indirect_vreg.gather [hbm4b:s3+s2], $0x80, v3, vm0, $0xb8;
	[tilespmem:$0x10100] =	vst v63  }
0x6f: {  	v3 =	vld [tilespmem:$0x80];
	_ =	sdelay $0x4  }
0x70: {  	v56 =	vshll.u32 v3, $0x1  }
0x71: {  	v3 =	vand.u32 $0x7, v3;
	v4 =	vand.u32 $0xFFFFFFF0, v56  }
0x72: {  	v3 =	vor.u32 v3, v4  }
0x73: {  	v4 =	vperm.xlane v3, v0;
	_ =	sdelay $0x1  }
0x74: {  	v3 =	vperm.xlane v3, v2;
	v4 =	vadd.s32 v1, v4;
	_ =	sdelay $0x1  }
0x75: {  	v3 =	vadd.s32 v1, v3;
	_ =	sdelay $0x2  }
0x76: {  	[tilespmem:s15], [sflag:$0x1] =	stream.indirect_vreg.gather [hbm4b:s3+s2], $0x80, v4, vm0, $0xb8;
	[tilespmem:$0x10100] =	vst v63  }
0x77: {  	_ = 	snop  }
0x78: {  	[tilespmem:s16], [sflag:$0x1] =	stream.indirect_vreg.gather [hbm4b:s3+s2], $0x80, v3, vm0, $0xb8;
	[tilespmem:$0x10100] =	vst v63  }
0x79: {  	v3 =	vld [tilespmem:$0x90];
	_ =	sdelay $0x4  }
0x7a: {  	v57 =	vshll.u32 v3, $0x1  }
0x7b: {  	v3 =	vand.u32 $0x7, v3;
	v4 =	vand.u32 $0xFFFFFFF0, v57  }
0x7c: {  	v3 =	vor.u32 v3, v4  }
0x7d: {  	v4 =	vperm.xlane v3, v0;
	_ =	sdelay $0x1  }
0x7e: {  	v3 =	vperm.xlane v3, v2;
	v4 =	vadd.s32 v1, v4;
	_ =	sdelay $0x1  }
0x7f: {  	v3 =	vadd.s32 v1, v3;
	_ =	sdelay $0x2  }
0x80: {  	[tilespmem:s17], [sflag:$0x1] =	stream.indirect_vreg.gather [hbm4b:s3+s2], $0x80, v4, vm0, $0xb8;
	[tilespmem:$0x10100] =	vst v63  }
0x81: {  	_ = 	snop  }
0x82: {  	[tilespmem:s18], [sflag:$0x1] =	stream.indirect_vreg.gather [hbm4b:s3+s2], $0x80, v3, vm0, $0xb8;
	[tilespmem:$0x10100] =	vst v63  }
0x83: {  	v3 =	vld [tilespmem:$0xA0];
	_ =	sdelay $0x4  }
0x84: {  	v58 =	vshll.u32 v3, $0x1  }
0x85: {  	v3 =	vand.u32 $0x7, v3;
	v4 =	vand.u32 $0xFFFFFFF0, v58  }
0x86: {  	v3 =	vor.u32 v3, v4  }
0x87: {  	v4 =	vperm.xlane v3, v0;
	_ =	sdelay $0x1  }
0x88: {  	v3 =	vperm.xlane v3, v2;
	v4 =	vadd.s32 v1, v4;
	_ =	sdelay $0x1  }
0x89: {  	v3 =	vadd.s32 v1, v3;
	_ =	sdelay $0x2  }
0x8a: {  	[tilespmem:s19], [sflag:$0x1] =	stream.indirect_vreg.gather [hbm4b:s3+s2], $0x80, v4, vm0, $0xb8;
	[tilespmem:$0x10100] =	vst v63  }
0x8b: {  	_ = 	snop  }
0x8c: {  	[tilespmem:s20], [sflag:$0x1] =	stream.indirect_vreg.gather [hbm4b:s3+s2], $0x80, v3, vm0, $0xb8;
	[tilespmem:$0x10100] =	vst v63  }
0x8d: {  	v3 =	vld [tilespmem:$0xB0];
	_ =	sdelay $0x4  }
0x8e: {  	v59 =	vshll.u32 v3, $0x1  }
0x8f: {  	v3 =	vand.u32 $0x7, v3;
	v4 =	vand.u32 $0xFFFFFFF0, v59  }
0x90: {  	v3 =	vor.u32 v3, v4  }
0x91: {  	v4 =	vperm.xlane v3, v0;
	_ =	sdelay $0x1  }
0x92: {  	v3 =	vperm.xlane v3, v2;
	v4 =	vadd.s32 v1, v4;
	_ =	sdelay $0x1  }
0x93: {  	v3 =	vadd.s32 v1, v3;
	_ =	sdelay $0x2  }
0x94: {  	[tilespmem:s21], [sflag:$0x1] =	stream.indirect_vreg.gather [hbm4b:s3+s2], $0x80, v4, vm0, $0xb8;
	[tilespmem:$0x10100] =	vst v63  }
0x95: {  	_ = 	snop  }
0x96: {  	[tilespmem:s22], [sflag:$0x1] =	stream.indirect_vreg.gather [hbm4b:s3+s2], $0x80, v3, vm0, $0xb8;
	[tilespmem:$0x10100] =	vst v63  }
0x97: {  	v3 =	vld [tilespmem:$0xC0];
	_ =	sdelay $0x4  }
0x98: {  	v60 =	vshll.u32 v3, $0x1  }
0x99: {  	v3 =	vand.u32 $0x7, v3;
	v4 =	vand.u32 $0xFFFFFFF0, v60  }
0x9a: {  	v3 =	vor.u32 v3, v4  }
0x9b: {  	v4 =	vperm.xlane v3, v0;
	_ =	sdelay $0x1  }
0x9c: {  	v3 =	vperm.xlane v3, v2;
	v4 =	vadd.s32 v1, v4;
	_ =	sdelay $0x1  }
0x9d: {  	v3 =	vadd.s32 v1, v3;
	_ =	sdelay $0x2  }
0x9e: {  	[tilespmem:s23], [sflag:$0x1] =	stream.indirect_vreg.gather [hbm4b:s3+s2], $0x80, v4, vm0, $0xb8;
	[tilespmem:$0x10100] =	vst v63  }
0x9f: {  	_ = 	snop  }
0xa0: {  	[tilespmem:s24], [sflag:$0x1] =	stream.indirect_vreg.gather [hbm4b:s3+s2], $0x80, v3, vm0, $0xb8;
	[tilespmem:$0x10100] =	vst v63  }
0xa1: {  	v3 =	vld [tilespmem:$0xD0];
	_ =	sdelay $0x4  }
0xa2: {  	v61 =	vshll.u32 v3, $0x1  }
0xa3: {  	v3 =	vand.u32 $0x7, v3;
	v4 =	vand.u32 $0xFFFFFFF0, v61  }
0xa4: {  	v3 =	vor.u32 v3, v4  }
0xa5: {  	v4 =	vperm.xlane v3, v0;
	_ =	sdelay $0x1  }
0xa6: {  	v3 =	vperm.xlane v3, v2;
	v4 =	vadd.s32 v1, v4;
	_ =	sdelay $0x1  }
0xa7: {  	v3 =	vadd.s32 v1, v3;
	_ =	sdelay $0x2  }
0xa8: {  	[tilespmem:s25], [sflag:$0x1] =	stream.indirect_vreg.gather [hbm4b:s3+s2], $0x80, v4, vm0, $0xb8;
	[tilespmem:$0x10100] =	vst v63  }
0xa9: {  	_ = 	snop  }
0xaa: {  	[tilespmem:s26], [sflag:$0x1] =	stream.indirect_vreg.gather [hbm4b:s3+s2], $0x80, v3, vm0, $0xb8;
	[tilespmem:$0x10100] =	vst v63  }
0xab: {  	v3 =	vld [tilespmem:$0xE0];
	_ =	sdelay $0x4  }
0xac: {  	v62 =	vshll.u32 v3, $0x1  }
0xad: {  	v3 =	vand.u32 $0x7, v3;
	v4 =	vand.u32 $0xFFFFFFF0, v62  }
0xae: {  	v3 =	vor.u32 v3, v4  }
0xaf: {  	v4 =	vperm.xlane v3, v0;
	_ =	sdelay $0x1  }
0xb0: {  	v3 =	vperm.xlane v3, v2;
	v4 =	vadd.s32 v1, v4;
	_ =	sdelay $0x1  }
0xb1: {  	v3 =	vadd.s32 v1, v3;
	_ =	sdelay $0x2  }
0xb2: {  	[tilespmem:s28], [sflag:$0x1] =	stream.indirect_vreg.gather [hbm4b:s3+s2], $0x80, v4, vm0, $0xb8;
	[tilespmem:$0x10100] =	vst v63  }
0xb3: {  	_ = 	snop  }
0xb4: {  	[tilespmem:s29], [sflag:$0x1] =	stream.indirect_vreg.gather [hbm4b:s3+s2], $0x80, v3, vm0, $0xb8;
	[tilespmem:$0x10100] =	vst v63  }
0xb5: {  	v3 =	vld [tilespmem:$0xF0];
	_ =	sdelay $0x4  }
0xb6: {  	v63 =	vshll.u32 v3, $0x1  }
0xb7: {  	v3 =	vand.u32 $0x7, v3;
	v4 =	vand.u32 $0xFFFFFFF0, v63  }
0xb8: {  	v3 =	vor.u32 v3, v4  }
0xb9: {  	v4 =	vperm.xlane v3, v0;
	_ =	sdelay $0x1  }
0xba: {  	v3 =	vperm.xlane v3, v2;
	v4 =	vadd.s32 v1, v4;
	_ =	sdelay $0x1  }
0xbb: {  	v3 =	vadd.s32 v1, v3;
	_ =	sdelay $0x2  }
0xbc: {  	[tilespmem:s30], [sflag:$0x1] =	stream.indirect_vreg.gather [hbm4b:s3+s2], $0x80, v4, vm0, $0xb8;
	[tilespmem:$0x10100] =	vst v63  }
0xbd: {  	_ = 	snop  }
0xbe: {  	[tilespmem:s31], [sflag:$0x1] =	stream.indirect_vreg.gather [hbm4b:s3+s2], $0x80, v3, vm0, $0xb8;
	[tilespmem:$0x10100] =	vst v63  }
0xbf: {  	_ =	swait.ge [sflag:s1], $0x10000  }
0xc0: {  	p0 =	sne.s32 s4, $0x1;
	[sflag:s1] =	ssyncset.done $0x0  }
.Ltmp0:
0xc1: {  	s7 =	rddreg [dreg:$0x3];
	[sflag:s1] =	ssyncadd.s32 $0xFFFF0000;
	(pc) =	sbr.rel @p0 .LBB2_1-.Ltmp0, $4  }
0xc2: {  	[hbm4b:s7+s2] =	stream.linear.scatter [tilespmem:s6], [sflag:$0x2], $0x10000, $0x38;
	[tilespmem:$0x10100] =	vst v63  }
0xc3: {  	_ =	swait.ge [sflag:s5], $0x10000  }
0xc4: {  	[sflag:s5] =	ssyncset.done $0x0  }
0xc5: {  	s4 =	sadd.s32 $0xFFFFFFFF, s4;
	[sflag:s5] =	ssyncadd.s32 $0xFFFF0000  }
0xc6: {  	_ =	sfence.sel $0x180000  }
0xc7: {  	[bflag:$0x0] =	sbarrier.arrive $0xFFFF  }
0xc8: {  	_ =	strace $0x9000004A  }
0xc9: {  	s0 =	stileid.u32;
	[bflag:$0x2] =	sbarrier.arrive $0xFFFF  }
0xca: {  	p0 =	sne.s32 s0, $0x0;
	s0 =	rddreg [dreg:$0x1]  }
0xcb: {  	s0 =	sadd.s32 @!p0 $0x100000, s0  }
0xcc: {  	[sflag:s0] =	ssyncadd.tile.s32 @!p0 $0x1;
	_ =	shalt  }
.Lfunc_end2:
_tile_overlayer_lowered:
.L_overlay_start_2:
0xcd: {  	(tag) =	ssettag $0x2  }
0xce: {  	s0 =	rddreg [dreg:$0x0];
	s2 =	stileid.u32  }
0xcf: {  	s1 =	rddreg [dreg:$0x1];
	p0 =	sne.s32 s2, $0x0  }
0xd0: {  	s3 =	rddreg [dreg:$0x2];
	[bflag:$0x3] =	sbarrier.arrive $0xFFFF;
	s2 =	simm.s32 @!p0 $0x1C02  }
0xd1: {  	[timem:s3], [sflag:s2] =	dma.local @!p0 [hbm:s0], s1  }
0xd2: {  	s0 =	simm.s32 @!p0 $0x2  }
0xd3: {  	_ =	swait.ge @!p0 [sflag:s0], s1  }
0xd4: {  	s1 =	ssub.s32 @!p0 $0x0, s1;
	[sflag:s0] =	ssyncset.done @!p0 $0x0  }
0xd5: {  	[sflag:s0] =	ssyncadd.s32 @!p0 s1  }
0xd6: {  	[bflag:$0x3] =	sbarrier.arrive $0xFFFF  }
0xd7: {  	_ =	shalt  }

// kernel: kernel.7.cloned.1.call-start
scs
__scs_entry_jumppad:
0x0: {  	(pc) =	sbr.rel $0x88, $3  }
0x1: {  	(tag) =	ssettag $0x0;
	lr =	simm.s32 $0x1  }
0x2: {  	[smem:$0x3F7F] =	sst lr;
	_ =	strace $0xD0000000  }
0x3: {  	_ = 	snop  }
0x4: {  	_ = 	snop  }
0x5: {  	_ = 	snop  }
0x6: {  	_ = 	snop  }
0x7: {  	_ = 	snop  }
__scs_overlays_trampoline_lowered:
0x8: {  	[smem:$0x3F8E] =	sst s0  }
0x9: {  	[smem:$0x3F8F] =	sst s1  }
0xa: {  	[smem:$0x3F90] =	sst s2  }
0xb: {  	[smem:$0x3F91] =	sst s3  }
0xc: {  	[smem:$0x3F92] =	sst s4  }
0xd: {  	[smem:$0x3F93] =	sst s5  }
0xe: {  	[smem:$0x3F94] =	sst s6  }
0xf: {  	[smem:$0x3F95] =	sst s7  }
0x10: {  	[smem:$0x3F96] =	sst s8  }
0x11: {  	[smem:$0x3F97] =	sst s9;
	s0 =	simm.s32 @!p0 $0x0  }
0x12: {  	s1 =	sld [smem:$0x3F7D];
	s0 =	simm.s32 @p0 $0x1  }
0x13: {  	[smem:$0x3F98] =	sst s0;
	s0 =	simm.s32 @!p1 $0x0  }
0x14: {  	s2 =	sld [smem:$0x3F7C];
	s0 =	simm.s32 @p1 $0x1  }
0x15: {  	[smem:$0x3F99] =	sst s0;
	s0 =	simm.s32 @!p2 $0x0  }
0x16: {  	s3 =	sld [smem:$0x3FDB];
	s0 =	simm.s32 @p2 $0x1  }
0x17: {  	s4 =	simm.s32 $0x1BF5;
	[smem:$0x3F9B] =	sst s0  }
0x18: {  	s0 =	sld [smem:$0x3F7E];
	_ =	swait.ge [sflag:s4], $0x0  }
0x19: {  	s7 =	sld [smem:$0x3F7F]  }
0x1a: {  	s8 =	sadd.s32 $0xFFFFE003, lr  }
0x1b: {  	s9 =	sadd.s32 $0xFFFFFEF7, lr;
	s5 =	simm.s32 $0xFFFFFFFF;
	p2 =	slt.u32 s8, $0xFFFFF086  }
0x1c: {  	p1 =	slt.u32 s9, $0xF7A;
	s5 =	simm.s32 @!p2 $0x0  }
0x1d: {  	s5 =	simm.s32 @p1 $0x1;
	p0 =	seq.s32 s7, s2  }
0x1e: {  	s7 =	smul.u32 @!p0 $0xF7A, s2;
	p2 =	seq.s32 @!p0 s5, $0x0  }
0x1f: {  	s9 =	smul.u32 $0xF7A, s1;
	s8 =	simm.s32 @!p0 $0x1BF5;
	p2 =	por !p2, p0  }
0x20: {  	[sflag:s8] =	ssyncset.s32 @!p0 $0xFFFFF086;
	s6 =	sadd.s32 @!p0 s3, s7;
	s7 =	simm.s32 @!p0 $0x108  }
0x21: {  	s3 =	sadd.s32 s3, s9;
	s6 =	sadd.s32 @!p0 $0x88, s6;
	s7 =	simm.s32 @p2 $0x1082  }
0x22: {  	[simem:s7], [sflag:s8] =	dma.local @!p0 [hbm:s6], $0xF7A  }
0x23: {  	s9 =	sor.u32 $0xD0000000, s2;
	s6 =	simm.s32 $0x108;
	_ =	swait.ge @!p0 [sflag:s8], $0x0  }
0x24: {  	s3 =	sadd.s32 $0x88, s3;
	s6 =	simm.s32 @!p1 $0x1082;
	[sflag:s4] =	ssyncset.s32 $0xFFFFF086  }
0x25: {  	[simem:s6], [sflag:s4] =	dma.local [hbm:s3], $0xF7A  }
0x26: {  	[smem:$0x3F7F] =	sst s1;
	(tag) =	ssettag s2;
	_ =	strace s9  }
0x27: {  	s1 =	sld [smem:$0x3F8F]  }
0x28: {  	s2 =	sld [smem:$0x3F90]  }
0x29: {  	s4 =	sld [smem:$0x3F92]  }
0x2a: {  	p0 =	seq.s32 s5, $0x0;
	s5 =	sld [smem:$0x3F93]  }
0x2b: {  	s6 =	sld [smem:$0x3F94]  }
0x2c: {  	s7 =	sld [smem:$0x3F95]  }
0x2d: {  	s3 =	simm.s32 $0x108;
	s8 =	sld [smem:$0x3F96]  }
0x2e: {  	s3 =	simm.s32 @!p0 $0x1082;
	s9 =	sld [smem:$0x3F97]  }
0x2f: {  	lr =	sadd.s32 s0, s3;
	s0 =	sld [smem:$0x3F8E]  }
0x30: {  	s3 =	sld [smem:$0x3F91]  }
0x31: {  	[smem:$0x3F9A] =	sst s10  }
0x32: {  	s10 =	sld [smem:$0x3F98];
	_ =	sdelay $0x3  }
0x33: {  	p0 =	seq.s32 s10, $0x1;
	s10 =	sld [smem:$0x3F9A];
	_ =	sdelay $0x3  }
0x34: {  	[smem:$0x3F9A] =	sst s10  }
0x35: {  	s10 =	sld [smem:$0x3F99];
	_ =	sdelay $0x3  }
0x36: {  	p1 =	seq.s32 s10, $0x1;
	s10 =	sld [smem:$0x3F9A];
	_ =	sdelay $0x3  }
0x37: {  	[smem:$0x3F9A] =	sst s10  }
0x38: {  	s10 =	sld [smem:$0x3F9B]  }
0x39: {  	_ = 	snop;
	(pc) =	sbr.ind lr, $3  }
0x3a: {  	_ = 	snop  }
0x3b: {  	_ = 	snop  }
0x3c: {  	p2 =	seq.s32 s10, $0x1;
	s10 =	sld [smem:$0x3F9A]  }
0x3d: {  	_ =	shalt  }
0x3e: {  	_ =	shalt  }
0x3f: {  	_ =	shalt  }
0x40: {  	_ =	shalt  }
0x41: {  	_ =	shalt  }
0x42: {  	_ =	shalt  }
0x43: {  	_ =	shalt  }
0x44: {  	_ =	shalt  }
0x45: {  	_ =	shalt  }
0x46: {  	_ =	shalt  }
0x47: {  	_ =	shalt  }
0x48: {  	_ =	shalt  }
0x49: {  	_ =	shalt  }
0x4a: {  	_ =	shalt  }
0x4b: {  	_ =	shalt  }
0x4c: {  	_ =	shalt  }
0x4d: {  	_ =	shalt  }
0x4e: {  	_ =	shalt  }
0x4f: {  	_ =	shalt  }
0x50: {  	_ =	shalt  }
0x51: {  	_ =	shalt  }
0x52: {  	_ =	shalt  }
0x53: {  	_ =	shalt  }
0x54: {  	_ =	shalt  }
0x55: {  	_ =	shalt  }
0x56: {  	_ =	shalt  }
0x57: {  	_ =	shalt  }
0x58: {  	_ =	shalt  }
0x59: {  	_ =	shalt  }
0x5a: {  	_ =	shalt  }
0x5b: {  	_ =	shalt  }
0x5c: {  	_ =	shalt  }
0x5d: {  	_ =	shalt  }
0x5e: {  	_ =	shalt  }
0x5f: {  	_ =	shalt  }
0x60: {  	_ =	shalt  }
0x61: {  	_ =	shalt  }
0x62: {  	_ =	shalt  }
0x63: {  	_ =	shalt  }
0x64: {  	_ =	shalt  }
0x65: {  	_ =	shalt  }
0x66: {  	_ =	shalt  }
0x67: {  	_ =	shalt  }
0x68: {  	_ =	shalt  }
0x69: {  	_ =	shalt  }
0x6a: {  	_ =	shalt  }
0x6b: {  	_ =	shalt  }
0x6c: {  	_ =	shalt  }
0x6d: {  	_ =	shalt  }
0x6e: {  	_ =	shalt  }
0x6f: {  	_ =	shalt  }
0x70: {  	_ =	shalt  }
0x71: {  	_ =	shalt  }
0x72: {  	_ =	shalt  }
0x73: {  	_ =	shalt  }
0x74: {  	_ =	shalt  }
0x75: {  	_ =	shalt  }
0x76: {  	_ =	shalt  }
0x77: {  	_ =	shalt  }
0x78: {  	_ =	shalt  }
0x79: {  	_ =	shalt  }
0x7a: {  	_ =	shalt  }
0x7b: {  	_ =	shalt  }
0x7c: {  	_ =	shalt  }
0x7d: {  	_ =	shalt  }
0x7e: {  	_ =	shalt  }
0x7f: {  	_ =	shalt  }
0x80: {  	_ =	shalt  }
0x81: {  	_ =	shalt  }
0x82: {  	_ =	shalt  }
0x83: {  	_ =	shalt  }
0x84: {  	_ =	shalt  }
0x85: {  	_ =	shalt  }
0x86: {  	_ =	shalt  }
0x87: {  	_ =	shalt  }
.Lfunc_end0:
.L_simem_size_0:
called_computation_lowered:
.L_overlay_start_0:
0x88: {  	s2 =	sld [smem:$0x3FD9]  }
0x89: {  	s3 =	sld [smem:$0x3FFE];
	_ =	sdelay $0x1  }
0x8a: {  	s1 =	srdreg.scid  }
0x8b: {  	s0 =	sand.u32 $0x1, s1  }
0x8c: {  	s16 =	sshll.u32 s0, $0xA;
	s2 =	sadd.s32 s3, s2  }
0x8d: {  	s2 =	sadd.s32 s2, s16  }
0x8e: {  	[smem:$0x3FA6] =	sst s2  }
0x8f: {  	_ = 	snop  }
0x90: {  	(tm) =	ssettm $0x1  }
0x91: {  	s17 =	sld [smem:$0x3FFB];
	_ =	sdelay $0x3  }
0x92: {  	_ =	strace s17  }
0x93: {  	s2 =	sld [smem:$0x3FFC];
	_ =	sdelay $0x3  }
0x94: {  	_ =	strace s2  }
0x95: {  	s2 =	sld [smem:$0x3FFD];
	_ =	sdelay $0x3  }
0x96: {  	_ =	strace s2  }
0x97: {  	_ =	strace $0x8FFFFFFF  }
0x98: {  	s18 =	sld [smem:$0x3FDB];
	_ =	sdelay $0x1  }
0x99: {  	s19 =	simm.s32 $_scs_section_size  }
0x9a: {  	s4 =	simm.s32 $_size__tile_overlayer_lowered;
	s5 =	simm.s32 $_tile_overlayer_lowered  }
0x9b: {  	s22 =	simm.s32 $0x1BFF;
	s21 =	sshll.u32 s5, $0x1;
	s2 =	sadd.s32 s19, s18  }
0x9c: {  	s6 =	simm.s32 $0x0;
	s20 =	sshll.u32 s4, $0x1;
	s4 =	sadd.s32 s21, s2  }
0x9d: {  	[timem:s6], [sflag:s22] =	dma.local [hbm:s4], s20  }
0x9e: {  	_ =	swait.ge [sflag:s22], s20  }
0x9f: {  	s3 =	ssub.s32 $0x0, s20;
	[sflag:s22] =	ssyncset.done $0x0  }
0xa0: {  	[sflag:s22] =	ssyncadd.s32 s3;
	_ =	sdelay $0x1  }
0xa1: {  	s23 =	simm.s32 $0x1B8B  }
0xa2: {  	_ =	swait.ge [sflag:s23], $0x1  }
0xa3: {  	[sflag:s23] =	ssyncset.done $0x0  }
0xa4: {  	s25 =	simm.s32 $0x1B8E;
	s24 =	sld [smem:$0x3FFE];
	[sflag:s23] =	ssyncadd.s32 $0xFFFFFFFF  }
0xa5: {  	s26 =	simm.s32 $execute0_lowered;
	[smem:$0x3FD2] =	sst s25  }
0xa6: {  	s4 =	sshll.u32 s26, $0x1;
	_ =	strace $0x80000046;
	[dreg:$0x1] =	wrdreg $0xFFFFFFFF  }
0xa7: {  	s28 =	simm.s32 $_size_execute0_lowered;
	s2 =	sadd.s32 s2, s4;
	[dreg:$0x0] =	wrdreg $0x0  }
0xa8: {  	s4 =	sshll.u32 s28, $0x1;
	[dreg:$0x2] =	wrdreg s2  }
0xa9: {  	[dreg:$0x3] =	wrdreg s4  }
0xaa: {  	[dreg:$0x4] =	wrdreg $0xC0  }
0xab: {  	_ =	task [dreg:s6], $0x5FFFF  }
0xac: {  	[dreg:$0x1] =	wrdreg $0xFFFFFFFF  }
0xad: {  	[dreg:$0x0] =	wrdreg $0x60  }
0xae: {  	[dreg:$0x2] =	wrdreg s24  }
0xaf: {  	[dreg:$0x3] =	wrdreg $0x9  }
0xb0: {  	_ =	task.clear_ibuf [dreg:s6], $0x4FFFF;
	_ =	strace $0x90000046  }
0xb1: {  	s29 =	simm.s32 $0x9;
	_ =	strace $0x80000048  }
0xb2: {  	_ =	swait.ge [sflag:s29], $0x1  }
0xb3: {  	[sflag:s29] =	ssyncadd.s32 $0xFFFFFFFF  }
0xb4: {  	_ =	strace $0x90000048  }
0xb5: {  	_ =	sfence  }
0xb6: {  	s30 =	sld [smem:$0x0];
	_ =	sdelay $0x2  }
0xb7: {  	s31 =	sshll.u32 s1, $0xD;
	s1 =	sshrl.u32 s1, $0x2  }
0xb8: {  	s3 =	sand.u32 $0x4000, s31;
	s1 =	sadd.s32 s1, s30  }
0xb9: {  	s0 =	sor.u32 s3, s0;
	s1 =	sshll.u32 s1, $0x11  }
0xba: {  	s0 =	sor.u32 s1, s0  }
0xbb: {  	s0 =	sadd.s32 $0x8F2B, s0  }
0xbc: {  	[sflag:s0] =	ssyncadd.remote.s32 $0x1  }
0xbd: {  	_ =	sfence.sel $0xFFFF  }
0xbe: {  	[dreg:$0x0] =	wrdreg $0xFFFFFFFF;
	(pc) =	sbr.abs _section_cstart, $3  }
0xbf: {  	[dreg:$0x1] =	wrdreg $0xFFFFFFFF  }
0xc0: {  	_ =	task.clear_ibuf [dreg:s6], $0x2FFFF;
	_ =	strace $0x9FFFFFFF  }
0xc1: {  	(tm) =	ssettm $0x7FFFFFFF  }
tec
execute0_lowered:
.L_overlay_start_1:
0x0: {  	(tag) =	ssettag $0x1  }
0x1: {  	s1 =	srdreg.scid;
	s0 =	stileid.u32  }
0x2: {  	s2 =	rddreg [dreg:$0x0];
	s19 =	simm.s32 $0x900;
	s20 =	simm.s32 $0x1100  }
0x3: {  	s21 =	simm.s32 $0x1900;
	s23 =	simm.s32 $0x2100;
	s24 =	simm.s32 $0x2900  }
0x4: {  	s25 =	simm.s32 $0x3100;
	s26 =	simm.s32 $0x3900;
	s6 =	simm.s32 $0x100  }
0x5: {  	s8 =	simm.s32 $0x4900;
	s9 =	simm.s32 $0x5100;
	s10 =	simm.s32 $0x5900  }
0x6: {  	s11 =	simm.s32 $0x6100;
	s12 =	simm.s32 $0x6900;
	s13 =	simm.s32 $0x7100  }
0x7: {  	s14 =	simm.s32 $0x7900;
	s15 =	simm.s32 $0x8100;
	s1 =	sand.u32 $0x1, s1  }
0x8: {  	s16 =	simm.s32 $0x8900;
	s3 =	sshll.u32 s0, $0x9;
	s4 =	sshll.u32 s1, $0x8  }
0x9: {  	s17 =	simm.s32 $0x9100;
	s4 =	sor.u32 s4, s3;
	s3 =	simm.s32 $0x0  }
0xa: {  	s18 =	simm.s32 $0x9900;
	s28 =	simm.s32 $0xE100;
	[smem:$0x7FF] =	sst s3  }
0xb: {  	s29 =	simm.s32 $0xE900;
	_ =	strace $0x80000047;
	[dreg:$0x4] =	wrdreg s19  }
0xc: {  	s30 =	simm.s32 $0xF100;
	s1 =	ssub.s32 $0x2, s1;
	[dreg:$0x5] =	wrdreg s20  }
0xd: {  	s31 =	simm.s32 $0xF900;
	s22 =	sshrl.u32 s1, $0x1;
	[dreg:$0x6] =	wrdreg s21  }
0xe: {  	s5 =	sshrl.u32 s4, $0x3;
	s4 =	sshll.u32 s4, $0x5;
	[dreg:$0x7] =	wrdreg s23  }
0xf: {  	s1 =	ssub.s32 s1, s22;
	s22 =	simm.s32 $0xB900;
	[dreg:$0x8] =	wrdreg s24  }
0x10: {  	s5 =	sadd.s32 s5, s2;
	s4 =	sadd.s32 s4, s2;
	[dreg:$0x9] =	wrdreg s25  }
0x11: {  	[dreg:$0xa] =	wrdreg s26;
	s19 =	simm.s32 $0xA100;
	s20 =	simm.s32 $0xA900  }
0x12: {  	s21 =	simm.s32 $0xB100;
	s23 =	simm.s32 $0xC100;
	s5 =	sadd.s32 $0x80000, s5  }
0x13: {  	v2 =	vlaneseq.u32;
	s24 =	simm.s32 $0xC900;
	s4 =	sadd.s32 $0x80400, s4;
	[dreg:$0x2] =	wrdreg s5  }
0x14: {  	vm0 =	vmmov $0xffff;
	v1 =	vshrl.u32 v2, $0x3;
	s25 =	simm.s32 $0xD100;
	s26 =	simm.s32 $0xD900;
	[dreg:$0x3] =	wrdreg s4  }
0x15: {  	v0 =	vand.u32 $0x7, v2;
	v2 =	vor.u32 $0x8, v2;
	v1 =	vmul.u32 $0x8, v1;
	s4 =	smax.u32 s1, $0x1;
	s5 =	simm.s32 $0x2;
	s1 =	simm.s32 $0x1  }
.LBB2_1:
0x16: {  	s0 =	rddreg [dreg:$0x2]  }
0x17: {  	[tilespmem:s3], [sflag:$0x2] =	stream.linear.gather [hbm4b:s0+s3], $0x100, $0x38;
	[tilespmem:$0x10100] =	vst v63  }
0x18: {  	_ =	swait.ge [sflag:s5], $0x100  }
0x19: {  	[sflag:s5] =	ssyncset.done $0x0  }
0x1a: {  	[sflag:s5] =	ssyncadd.s32 $0xFFFFFF00  }
0x1b: {  	v3 =	vld [tilespmem:$0x0];
	_ =	sdelay $0x4  }
0x1c: {  	v4 =	vshll.u32 v3, $0x1  }
0x1d: {  	v3 =	vand.u32 $0x7, v3;
	v4 =	vand.u32 $0xFFFFFFF0, v4  }
0x1e: {  	v3 =	vor.u32 v3, v4  }
0x1f: {  	v4 =	vperm.xlane v3, v0;
	_ =	sdelay $0x1  }
0x20: {  	v3 =	vperm.xlane v3, v2;
	v4 =	vadd.s32 v1, v4;
	_ =	sdelay $0x1  }
0x21: {  	v3 =	vadd.s32 v1, v3;
	_ =	sdelay $0x2  }
0x22: {  	[tilespmem:s6], [sflag:$0x1] =	stream.indirect_vreg.gather [hbm4b:s2+s3], $0x80, v4, vm0, $0xb8;
	[tilespmem:$0x10100] =	vst v63  }
0x23: {  	s7 =	rddreg [dreg:$0x4]  }
0x24: {  	[tilespmem:s7], [sflag:$0x1] =	stream.indirect_vreg.gather [hbm4b:s2+s3], $0x80, v3, vm0, $0xb8;
	[tilespmem:$0x10100] =	vst v63  }
0x25: {  	v3 =	vld [tilespmem:$0x10];
	_ =	sdelay $0x4  }
0x26: {  	v49 =	vshll.u32 v3, $0x1  }
0x27: {  	v3 =	vand.u32 $0x7, v3;
	v4 =	vand.u32 $0xFFFFFFF0, v49  }
0x28: {  	v3 =	vor.u32 v3, v4  }
0x29: {  	v4 =	vperm.xlane v3, v0;
	_ =	sdelay $0x1  }
0x2a: {  	v3 =	vperm.xlane v3, v2;
	v4 =	vadd.s32 v1, v4;
	_ =	sdelay $0x1  }
0x2b: {  	v3 =	vadd.s32 v1, v3;
	_ =	sdelay $0x1  }
0x2c: {  	s0 =	rddreg [dreg:$0x5]  }
0x2d: {  	[tilespmem:s0], [sflag:$0x1] =	stream.indirect_vreg.gather [hbm4b:s2+s3], $0x80, v4, vm0, $0xb8;
	[tilespmem:$0x10100] =	vst v63  }
0x2e: {  	s7 =	rddreg [dreg:$0x6]  }
0x2f: {  	[tilespmem:s7], [sflag:$0x1] =	stream.indirect_vreg.gather [hbm4b:s2+s3], $0x80, v3, vm0, $0xb8;
	[tilespmem:$0x10100] =	vst v63  }
0x30: {  	v3 =	vld [tilespmem:$0x20];
	_ =	sdelay $0x4  }
0x31: {  	v50 =	vshll.u32 v3, $0x1  }
0x32: {  	v3 =	vand.u32 $0x7, v3;
	v4 =	vand.u32 $0xFFFFFFF0, v50  }
0x33: {  	v3 =	vor.u32 v3, v4  }
0x34: {  	v4 =	vperm.xlane v3, v0;
	_ =	sdelay $0x1  }
0x35: {  	v3 =	vperm.xlane v3, v2;
	v4 =	vadd.s32 v1, v4;
	_ =	sdelay $0x1  }
0x36: {  	v3 =	vadd.s32 v1, v3;
	_ =	sdelay $0x1  }
0x37: {  	s0 =	rddreg [dreg:$0x7]  }
0x38: {  	[tilespmem:s0], [sflag:$0x1] =	stream.indirect_vreg.gather [hbm4b:s2+s3], $0x80, v4, vm0, $0xb8;
	[tilespmem:$0x10100] =	vst v63  }
0x39: {  	s7 =	rddreg [dreg:$0x8]  }
0x3a: {  	[tilespmem:s7], [sflag:$0x1] =	stream.indirect_vreg.gather [hbm4b:s2+s3], $0x80, v3, vm0, $0xb8;
	[tilespmem:$0x10100] =	vst v63  }
0x3b: {  	v3 =	vld [tilespmem:$0x30];
	_ =	sdelay $0x4  }
0x3c: {  	v51 =	vshll.u32 v3, $0x1  }
0x3d: {  	v3 =	vand.u32 $0x7, v3;
	v4 =	vand.u32 $0xFFFFFFF0, v51  }
0x3e: {  	v3 =	vor.u32 v3, v4  }
0x3f: {  	v4 =	vperm.xlane v3, v0;
	_ =	sdelay $0x1  }
0x40: {  	v3 =	vperm.xlane v3, v2;
	v4 =	vadd.s32 v1, v4;
	_ =	sdelay $0x1  }
0x41: {  	v3 =	vadd.s32 v1, v3;
	_ =	sdelay $0x1  }
0x42: {  	s0 =	rddreg [dreg:$0x9]  }
0x43: {  	[tilespmem:s0], [sflag:$0x1] =	stream.indirect_vreg.gather [hbm4b:s2+s3], $0x80, v4, vm0, $0xb8;
	[tilespmem:$0x10100] =	vst v63  }
0x44: {  	s7 =	rddreg [dreg:$0xa]  }
0x45: {  	[tilespmem:s7], [sflag:$0x1] =	stream.indirect_vreg.gather [hbm4b:s2+s3], $0x80, v3, vm0, $0xb8;
	[tilespmem:$0x10100] =	vst v63  }
0x46: {  	v3 =	vld [tilespmem:$0x40];
	_ =	sdelay $0x4  }
0x47: {  	v52 =	vshll.u32 v3, $0x1  }
0x48: {  	v3 =	vand.u32 $0x7, v3;
	v4 =	vand.u32 $0xFFFFFFF0, v52  }
0x49: {  	v3 =	vor.u32 v3, v4  }
0x4a: {  	v4 =	vperm.xlane v3, v0;
	_ =	sdelay $0x1  }
0x4b: {  	v3 =	vperm.xlane v3, v2;
	v4 =	vadd.s32 v1, v4;
	_ =	sdelay $0x1  }
0x4c: {  	v3 =	vadd.s32 v1, v3;
	_ =	sdelay $0x1  }
0x4d: {  	s7 =	simm.s32 $0x4100  }
0x4e: {  	[tilespmem:s7], [sflag:$0x1] =	stream.indirect_vreg.gather [hbm4b:s2+s3], $0x80, v4, vm0, $0xb8;
	[tilespmem:$0x10100] =	vst v63  }
0x4f: {  	_ = 	snop  }
0x50: {  	[tilespmem:s8], [sflag:$0x1] =	stream.indirect_vreg.gather [hbm4b:s2+s3], $0x80, v3, vm0, $0xb8;
	[tilespmem:$0x10100] =	vst v63  }
0x51: {  	v3 =	vld [tilespmem:$0x50];
	_ =	sdelay $0x4  }
0x52: {  	v53 =	vshll.u32 v3, $0x1  }
0x53: {  	v3 =	vand.u32 $0x7, v3;
	v4 =	vand.u32 $0xFFFFFFF0, v53  }
0x54: {  	v3 =	vor.u32 v3, v4  }
0x55: {  	v4 =	vperm.xlane v3, v0;
	_ =	sdelay $0x1  }
0x56: {  	v3 =	vperm.xlane v3, v2;
	v4 =	vadd.s32 v1, v4;
	_ =	sdelay $0x1  }
0x57: {  	v3 =	vadd.s32 v1, v3;
	_ =	sdelay $0x2  }
0x58: {  	[tilespmem:s9], [sflag:$0x1] =	stream.indirect_vreg.gather [hbm4b:s2+s3], $0x80, v4, vm0, $0xb8;
	[tilespmem:$0x10100] =	vst v63  }
0x59: {  	_ = 	snop  }
0x5a: {  	[tilespmem:s10], [sflag:$0x1] =	stream.indirect_vreg.gather [hbm4b:s2+s3], $0x80, v3, vm0, $0xb8;
	[tilespmem:$0x10100] =	vst v63  }
0x5b: {  	v3 =	vld [tilespmem:$0x60];
	_ =	sdelay $0x4  }
0x5c: {  	v54 =	vshll.u32 v3, $0x1  }
0x5d: {  	v3 =	vand.u32 $0x7, v3;
	v4 =	vand.u32 $0xFFFFFFF0, v54  }
0x5e: {  	v3 =	vor.u32 v3, v4  }
0x5f: {  	v4 =	vperm.xlane v3, v0;
	_ =	sdelay $0x1  }
0x60: {  	v3 =	vperm.xlane v3, v2;
	v4 =	vadd.s32 v1, v4;
	_ =	sdelay $0x1  }
0x61: {  	v3 =	vadd.s32 v1, v3;
	_ =	sdelay $0x2  }
0x62: {  	[tilespmem:s11], [sflag:$0x1] =	stream.indirect_vreg.gather [hbm4b:s2+s3], $0x80, v4, vm0, $0xb8;
	[tilespmem:$0x10100] =	vst v63  }
0x63: {  	_ = 	snop  }
0x64: {  	[tilespmem:s12], [sflag:$0x1] =	stream.indirect_vreg.gather [hbm4b:s2+s3], $0x80, v3, vm0, $0xb8;
	[tilespmem:$0x10100] =	vst v63  }
0x65: {  	v3 =	vld [tilespmem:$0x70];
	_ =	sdelay $0x4  }
0x66: {  	v55 =	vshll.u32 v3, $0x1  }
0x67: {  	v3 =	vand.u32 $0x7, v3;
	v4 =	vand.u32 $0xFFFFFFF0, v55  }
0x68: {  	v3 =	vor.u32 v3, v4  }
0x69: {  	v4 =	vperm.xlane v3, v0;
	_ =	sdelay $0x1  }
0x6a: {  	v3 =	vperm.xlane v3, v2;
	v4 =	vadd.s32 v1, v4;
	_ =	sdelay $0x1  }
0x6b: {  	v3 =	vadd.s32 v1, v3;
	_ =	sdelay $0x2  }
0x6c: {  	[tilespmem:s13], [sflag:$0x1] =	stream.indirect_vreg.gather [hbm4b:s2+s3], $0x80, v4, vm0, $0xb8;
	[tilespmem:$0x10100] =	vst v63  }
0x6d: {  	_ = 	snop  }
0x6e: {  	[tilespmem:s14], [sflag:$0x1] =	stream.indirect_vreg.gather [hbm4b:s2+s3], $0x80, v3, vm0, $0xb8;
	[tilespmem:$0x10100] =	vst v63  }
0x6f: {  	v3 =	vld [tilespmem:$0x80];
	_ =	sdelay $0x4  }
0x70: {  	v56 =	vshll.u32 v3, $0x1  }
0x71: {  	v3 =	vand.u32 $0x7, v3;
	v4 =	vand.u32 $0xFFFFFFF0, v56  }
0x72: {  	v3 =	vor.u32 v3, v4  }
0x73: {  	v4 =	vperm.xlane v3, v0;
	_ =	sdelay $0x1  }
0x74: {  	v3 =	vperm.xlane v3, v2;
	v4 =	vadd.s32 v1, v4;
	_ =	sdelay $0x1  }
0x75: {  	v3 =	vadd.s32 v1, v3;
	_ =	sdelay $0x2  }
0x76: {  	[tilespmem:s15], [sflag:$0x1] =	stream.indirect_vreg.gather [hbm4b:s2+s3], $0x80, v4, vm0, $0xb8;
	[tilespmem:$0x10100] =	vst v63  }
0x77: {  	_ = 	snop  }
0x78: {  	[tilespmem:s16], [sflag:$0x1] =	stream.indirect_vreg.gather [hbm4b:s2+s3], $0x80, v3, vm0, $0xb8;
	[tilespmem:$0x10100] =	vst v63  }
0x79: {  	v3 =	vld [tilespmem:$0x90];
	_ =	sdelay $0x4  }
0x7a: {  	v57 =	vshll.u32 v3, $0x1  }
0x7b: {  	v3 =	vand.u32 $0x7, v3;
	v4 =	vand.u32 $0xFFFFFFF0, v57  }
0x7c: {  	v3 =	vor.u32 v3, v4  }
0x7d: {  	v4 =	vperm.xlane v3, v0;
	_ =	sdelay $0x1  }
0x7e: {  	v3 =	vperm.xlane v3, v2;
	v4 =	vadd.s32 v1, v4;
	_ =	sdelay $0x1  }
0x7f: {  	v3 =	vadd.s32 v1, v3;
	_ =	sdelay $0x2  }
0x80: {  	[tilespmem:s17], [sflag:$0x1] =	stream.indirect_vreg.gather [hbm4b:s2+s3], $0x80, v4, vm0, $0xb8;
	[tilespmem:$0x10100] =	vst v63  }
0x81: {  	_ = 	snop  }
0x82: {  	[tilespmem:s18], [sflag:$0x1] =	stream.indirect_vreg.gather [hbm4b:s2+s3], $0x80, v3, vm0, $0xb8;
	[tilespmem:$0x10100] =	vst v63  }
0x83: {  	v3 =	vld [tilespmem:$0xA0];
	_ =	sdelay $0x4  }
0x84: {  	v58 =	vshll.u32 v3, $0x1  }
0x85: {  	v3 =	vand.u32 $0x7, v3;
	v4 =	vand.u32 $0xFFFFFFF0, v58  }
0x86: {  	v3 =	vor.u32 v3, v4  }
0x87: {  	v4 =	vperm.xlane v3, v0;
	_ =	sdelay $0x1  }
0x88: {  	v3 =	vperm.xlane v3, v2;
	v4 =	vadd.s32 v1, v4;
	_ =	sdelay $0x1  }
0x89: {  	v3 =	vadd.s32 v1, v3;
	_ =	sdelay $0x2  }
0x8a: {  	[tilespmem:s19], [sflag:$0x1] =	stream.indirect_vreg.gather [hbm4b:s2+s3], $0x80, v4, vm0, $0xb8;
	[tilespmem:$0x10100] =	vst v63  }
0x8b: {  	_ = 	snop  }
0x8c: {  	[tilespmem:s20], [sflag:$0x1] =	stream.indirect_vreg.gather [hbm4b:s2+s3], $0x80, v3, vm0, $0xb8;
	[tilespmem:$0x10100] =	vst v63  }
0x8d: {  	v3 =	vld [tilespmem:$0xB0];
	_ =	sdelay $0x4  }
0x8e: {  	v59 =	vshll.u32 v3, $0x1  }
0x8f: {  	v3 =	vand.u32 $0x7, v3;
	v4 =	vand.u32 $0xFFFFFFF0, v59  }
0x90: {  	v3 =	vor.u32 v3, v4  }
0x91: {  	v4 =	vperm.xlane v3, v0;
	_ =	sdelay $0x1  }
0x92: {  	v3 =	vperm.xlane v3, v2;
	v4 =	vadd.s32 v1, v4;
	_ =	sdelay $0x1  }
0x93: {  	v3 =	vadd.s32 v1, v3;
	_ =	sdelay $0x2  }
0x94: {  	[tilespmem:s21], [sflag:$0x1] =	stream.indirect_vreg.gather [hbm4b:s2+s3], $0x80, v4, vm0, $0xb8;
	[tilespmem:$0x10100] =	vst v63  }
0x95: {  	_ = 	snop  }
0x96: {  	[tilespmem:s22], [sflag:$0x1] =	stream.indirect_vreg.gather [hbm4b:s2+s3], $0x80, v3, vm0, $0xb8;
	[tilespmem:$0x10100] =	vst v63  }
0x97: {  	v3 =	vld [tilespmem:$0xC0];
	_ =	sdelay $0x4  }
0x98: {  	v60 =	vshll.u32 v3, $0x1  }
0x99: {  	v3 =	vand.u32 $0x7, v3;
	v4 =	vand.u32 $0xFFFFFFF0, v60  }
0x9a: {  	v3 =	vor.u32 v3, v4  }
0x9b: {  	v4 =	vperm.xlane v3, v0;
	_ =	sdelay $0x1  }
0x9c: {  	v3 =	vperm.xlane v3, v2;
	v4 =	vadd.s32 v1, v4;
	_ =	sdelay $0x1  }
0x9d: {  	v3 =	vadd.s32 v1, v3;
	_ =	sdelay $0x2  }
0x9e: {  	[tilespmem:s23], [sflag:$0x1] =	stream.indirect_vreg.gather [hbm4b:s2+s3], $0x80, v4, vm0, $0xb8;
	[tilespmem:$0x10100] =	vst v63  }
0x9f: {  	_ = 	snop  }
0xa0: {  	[tilespmem:s24], [sflag:$0x1] =	stream.indirect_vreg.gather [hbm4b:s2+s3], $0x80, v3, vm0, $0xb8;
	[tilespmem:$0x10100] =	vst v63  }
0xa1: {  	v3 =	vld [tilespmem:$0xD0];
	_ =	sdelay $0x4  }
0xa2: {  	v61 =	vshll.u32 v3, $0x1  }
0xa3: {  	v3 =	vand.u32 $0x7, v3;
	v4 =	vand.u32 $0xFFFFFFF0, v61  }
0xa4: {  	v3 =	vor.u32 v3, v4  }
0xa5: {  	v4 =	vperm.xlane v3, v0;
	_ =	sdelay $0x1  }
0xa6: {  	v3 =	vperm.xlane v3, v2;
	v4 =	vadd.s32 v1, v4;
	_ =	sdelay $0x1  }
0xa7: {  	v3 =	vadd.s32 v1, v3;
	_ =	sdelay $0x2  }
0xa8: {  	[tilespmem:s25], [sflag:$0x1] =	stream.indirect_vreg.gather [hbm4b:s2+s3], $0x80, v4, vm0, $0xb8;
	[tilespmem:$0x10100] =	vst v63  }
0xa9: {  	_ = 	snop  }
0xaa: {  	[tilespmem:s26], [sflag:$0x1] =	stream.indirect_vreg.gather [hbm4b:s2+s3], $0x80, v3, vm0, $0xb8;
	[tilespmem:$0x10100] =	vst v63  }
0xab: {  	v3 =	vld [tilespmem:$0xE0];
	_ =	sdelay $0x4  }
0xac: {  	v62 =	vshll.u32 v3, $0x1  }
0xad: {  	v3 =	vand.u32 $0x7, v3;
	v4 =	vand.u32 $0xFFFFFFF0, v62  }
0xae: {  	v3 =	vor.u32 v3, v4  }
0xaf: {  	v4 =	vperm.xlane v3, v0;
	_ =	sdelay $0x1  }
0xb0: {  	v3 =	vperm.xlane v3, v2;
	v4 =	vadd.s32 v1, v4;
	_ =	sdelay $0x1  }
0xb1: {  	v3 =	vadd.s32 v1, v3;
	_ =	sdelay $0x2  }
0xb2: {  	[tilespmem:s28], [sflag:$0x1] =	stream.indirect_vreg.gather [hbm4b:s2+s3], $0x80, v4, vm0, $0xb8;
	[tilespmem:$0x10100] =	vst v63  }
0xb3: {  	_ = 	snop  }
0xb4: {  	[tilespmem:s29], [sflag:$0x1] =	stream.indirect_vreg.gather [hbm4b:s2+s3], $0x80, v3, vm0, $0xb8;
	[tilespmem:$0x10100] =	vst v63  }
0xb5: {  	v3 =	vld [tilespmem:$0xF0];
	_ =	sdelay $0x4  }
0xb6: {  	v63 =	vshll.u32 v3, $0x1  }
0xb7: {  	v3 =	vand.u32 $0x7, v3;
	v4 =	vand.u32 $0xFFFFFFF0, v63  }
0xb8: {  	v3 =	vor.u32 v3, v4  }
0xb9: {  	v4 =	vperm.xlane v3, v0;
	_ =	sdelay $0x1  }
0xba: {  	v3 =	vperm.xlane v3, v2;
	v4 =	vadd.s32 v1, v4;
	_ =	sdelay $0x1  }
0xbb: {  	v3 =	vadd.s32 v1, v3;
	_ =	sdelay $0x2  }
0xbc: {  	[tilespmem:s30], [sflag:$0x1] =	stream.indirect_vreg.gather [hbm4b:s2+s3], $0x80, v4, vm0, $0xb8;
	[tilespmem:$0x10100] =	vst v63  }
0xbd: {  	_ = 	snop  }
0xbe: {  	[tilespmem:s31], [sflag:$0x1] =	stream.indirect_vreg.gather [hbm4b:s2+s3], $0x80, v3, vm0, $0xb8;
	[tilespmem:$0x10100] =	vst v63  }
0xbf: {  	_ =	swait.ge [sflag:s1], $0x10000  }
0xc0: {  	p0 =	sne.s32 s4, $0x1;
	[sflag:s1] =	ssyncset.done $0x0  }
.Ltmp0:
0xc1: {  	s7 =	rddreg [dreg:$0x3];
	[sflag:s1] =	ssyncadd.s32 $0xFFFF0000;
	(pc) =	sbr.rel @p0 .LBB2_1-.Ltmp0, $4  }
0xc2: {  	[hbm4b:s7+s3] =	stream.linear.scatter [tilespmem:s6], [sflag:$0x2], $0x10000, $0x38;
	[tilespmem:$0x10100] =	vst v63  }
0xc3: {  	_ =	swait.ge [sflag:s5], $0x10000  }
0xc4: {  	[sflag:s5] =	ssyncset.done $0x0  }
0xc5: {  	s4 =	sadd.s32 $0xFFFFFFFF, s4;
	[sflag:s5] =	ssyncadd.s32 $0xFFFF0000  }
0xc6: {  	_ =	sfence.sel $0x180000  }
0xc7: {  	[bflag:$0x0] =	sbarrier.arrive $0xFFFF  }
0xc8: {  	_ =	strace $0x90000047  }
0xc9: {  	s0 =	stileid.u32;
	[bflag:$0x2] =	sbarrier.arrive $0xFFFF  }
0xca: {  	p0 =	sne.s32 s0, $0x0;
	s0 =	rddreg [dreg:$0x1]  }
0xcb: {  	s0 =	sadd.s32 @!p0 $0x100000, s0  }
0xcc: {  	[sflag:s0] =	ssyncadd.tile.s32 @!p0 $0x1;
	_ =	shalt  }
.Lfunc_end2:
_tile_overlayer_lowered:
.L_overlay_start_2:
0xcd: {  	(tag) =	ssettag $0x2  }
0xce: {  	s0 =	rddreg [dreg:$0x0];
	s2 =	stileid.u32  }
0xcf: {  	s1 =	rddreg [dreg:$0x1];
	p0 =	sne.s32 s2, $0x0  }
0xd0: {  	s3 =	rddreg [dreg:$0x2];
	[bflag:$0x3] =	sbarrier.arrive $0xFFFF;
	s2 =	simm.s32 @!p0 $0x1C02  }
0xd1: {  	[timem:s3], [sflag:s2] =	dma.local @!p0 [hbm:s0], s1  }
0xd2: {  	s0 =	simm.s32 @!p0 $0x2  }
0xd3: {  	_ =	swait.ge @!p0 [sflag:s0], s1  }
0xd4: {  	s1 =	ssub.s32 @!p0 $0x0, s1;
	[sflag:s0] =	ssyncset.done @!p0 $0x0  }
0xd5: {  	[sflag:s0] =	ssyncadd.s32 @!p0 s1  }
0xd6: {  	[bflag:$0x3] =	sbarrier.arrive $0xFFFF  }
0xd7: {  	_ =	shalt  }

</sc_bundles>
